<compile_context>
chip_gen: v7x
topology: tpu7x:2x2x1
jax: 0.10.2.dev20260603
libtpu: 0.0.44.dev20260713+nightly
codegen_flags: <defaults>
</compile_context>

<pallas_src>
import functools

import jax
import jax.numpy as jnp
from jax import lax
from jax.experimental import pallas as pl
from jax.experimental.pallas import tpu as pltpu
from jax.experimental.pallas import tpu_sc as plsc

_BATCH = 4096
_HIST = 200
_D = 64
_DP = 128
_V = 1000000
_B = _BATCH * _HIST
_NC = 2
_NS = 16
_NW = _NC * _NS
_BPW = _B // _NW
_CH = _HIST
_NBUF = 8
_NCHUNK = _BPW // _CH
_NGRP = _NCHUNK // _NBUF - 1


def _make_kernel():
    mesh = plsc.VectorSubcoreMesh(core_axis_name="c", subcore_axis_name="s")

    @functools.partial(
        pl.kernel,
        out_type=jax.ShapeDtypeStruct((_BATCH, _HIST, _DP), jnp.float32),
        mesh=mesh,
        scratch_types=(
            [pltpu.VMEM((_BPW,), jnp.int32),
             pltpu.VMEM((_NBUF, _CH, _D), jnp.float32)]
            + [pltpu.SemaphoreType.DMA] * (2 * _NBUF)
        ),
        compiler_params=pltpu.CompilerParams(use_tc_tiling_on_sc=False),
    )
    def emb(idx_hbm, table_hbm, out_hbm, idx_v, rows_v, *sems):
        gsems = sems[:_NBUF]
        osems = sems[_NBUF:]
        wid = lax.axis_index("s") * _NC + lax.axis_index("c")
        base = wid * _BPW
        b0 = wid * (_BATCH // _NW)

        pltpu.sync_copy(idx_hbm.at[pl.ds(base, _BPW)], idx_v)

        def start_gather(i, b):
            pltpu.async_copy(
                table_hbm.at[idx_v.at[pl.ds(i * _CH, _CH)]],
                rows_v.at[b], gsems[b])

        def wait_gather(b):
            pltpu.make_async_copy(
                table_hbm.at[idx_v.at[pl.ds(0, _CH)]],
                rows_v.at[b], gsems[b]).wait()

        def start_store(i, b):
            pltpu.async_copy(
                rows_v.at[b], out_hbm.at[b0 + i, :, pl.ds(0, _D)], osems[b])

        def wait_store(b):
            pltpu.make_async_copy(
                rows_v.at[b], out_hbm.at[b0, :, pl.ds(0, _D)], osems[b]).wait()

        for b in range(_NBUF):
            start_gather(b, b)

        @pl.loop(0, _NGRP)
        def _grp(g):
            i0 = g * _NBUF
            for b in range(_NBUF):
                wait_gather(b)
                start_store(i0 + b, b)
            for b in range(_NBUF):
                wait_store(b)
                start_gather(i0 + b + _NBUF, b)

        i0 = _NGRP * _NBUF
        for b in range(_NBUF):
            wait_gather(b)
            start_store(i0 + b, b)
        for b in range(_NBUF):
            wait_store(b)

    return emb


_emb = _make_kernel()


@jax.jit
def kernel(x, table):
    idx = x.reshape(_B).astype(jnp.int32) * 2
    tab2m = jnp.pad(table, ((0, 0), (0, _DP - _D))).reshape(2 * _V, _D)
    out128 = _emb(idx, tab2m)
    return out128[:, :, :_D]

# --- scband reference (transcript-rebuilt; emitter-appended) ---
"""Pipeline reference for scband-token-embedding-9972914061365 (READ-ONLY COPY).

The authoritative reference and input builder live on the scoring server;
editing this copy changes nothing except your own understanding.
"""

import jax, jax.numpy as jnp
import numpy as np

VOCAB = 1000000
D_MODEL = 64
BATCH = 4096
HIST = 200

def setup_inputs(seed: int = 0) -> dict:
    key = jax.random.key(seed)
    k_idx, k_tab = jax.random.split(key)
    x = jax.random.randint(k_idx, (BATCH, HIST), 0, VOCAB, dtype=jnp.int64) if jax.config.jax_enable_x64 else jax.random.randint(k_idx, (BATCH, HIST), 0, VOCAB, dtype=jnp.int32)
    table = jax.random.normal(k_tab, (VOCAB, D_MODEL), dtype=jnp.float32) * 0.02
    return {"x": x, "table": table}

def reference(x, table):
    # nn.Embedding forward: row gather from the embedding table
    return jnp.take(table, x, axis=0)

if __name__ == "__main__":
    import jax
    _d = setup_inputs()
    print(jax.jit(kernel)(*tuple(_d.values())))

</pallas_src>

<mosaic_0001>
#map = affine_map<(d0, d1) -> (0)>
#map1 = affine_map<(d0, d1) -> (0, 0)>
#map2 = affine_map<(d0, d1) -> (0, 0, 0)>
module attributes {stable_mosaic.version = 14 : i64} {
  func.func @emb(%arg0: i32, %arg1: i32, %arg2: memref<819200xi32, #tpu.memory_space<hbm>>, %arg3: memref<2000000x64xf32, #tpu.memory_space<hbm>>, %arg4: memref<4096x200x128xf32, #tpu.memory_space<hbm>>, %arg5: memref<25600xi32, #tpu.memory_space<vmem>>, %arg6: memref<8x200x64xf32, #tpu.memory_space<vmem>>, %arg7: memref<!tpu.dma_semaphore, #tpu.memory_space<semaphore_mem>>, %arg8: memref<!tpu.dma_semaphore, #tpu.memory_space<semaphore_mem>>, %arg9: memref<!tpu.dma_semaphore, #tpu.memory_space<semaphore_mem>>, %arg10: memref<!tpu.dma_semaphore, #tpu.memory_space<semaphore_mem>>, %arg11: memref<!tpu.dma_semaphore, #tpu.memory_space<semaphore_mem>>, %arg12: memref<!tpu.dma_semaphore, #tpu.memory_space<semaphore_mem>>, %arg13: memref<!tpu.dma_semaphore, #tpu.memory_space<semaphore_mem>>, %arg14: memref<!tpu.dma_semaphore, #tpu.memory_space<semaphore_mem>>, %arg15: memref<!tpu.dma_semaphore, #tpu.memory_space<semaphore_mem>>, %arg16: memref<!tpu.dma_semaphore, #tpu.memory_space<semaphore_mem>>, %arg17: memref<!tpu.dma_semaphore, #tpu.memory_space<semaphore_mem>>, %arg18: memref<!tpu.dma_semaphore, #tpu.memory_space<semaphore_mem>>, %arg19: memref<!tpu.dma_semaphore, #tpu.memory_space<semaphore_mem>>, %arg20: memref<!tpu.dma_semaphore, #tpu.memory_space<semaphore_mem>>, %arg21: memref<!tpu.dma_semaphore, #tpu.memory_space<semaphore_mem>>, %arg22: memref<!tpu.dma_semaphore, #tpu.memory_space<semaphore_mem>>) attributes {dimension_semantics = [#tpu.dimension_semantics<core_parallel>, #tpu.dimension_semantics<subcore_parallel>], iteration_bounds = array<i64: 2, 16>, scalar_prefetch = 0 : i64, scratch_operands = 18 : i64, tpu.core_type = #tpu.core_type<sc_vector_subcore>, window_params = [{transform_indices = #map}, {transform_indices = #map1}, {transform_indices = #map2}]} {
    %mul3A = arith.constant 2 : i32
    %mul3A_0 = arith.muli %arg1, %mul3A : i32
    %add3A = arith.addi %mul3A_0, %arg0 : i32
    %mul3A_1 = arith.constant 25600 : i32
    %mul3A_2 = arith.muli %add3A, %mul3A_1 : i32
    %mul3A_3 = arith.constant 128 : i32
    %mul3A_4 = arith.muli %add3A, %mul3A_3 : i32
    "tpu.region"() ({
      %run_scoped3A = tpu.sem_alloc : memref<!tpu.dma_semaphore, #tpu.memory_space<semaphore_mem>>
      %dma_start3A_455 = tpu.memref_slice %arg2[%mul3A_2] : memref<819200xi32, #tpu.memory_space<hbm>> -> memref<25600xi32, #tpu.memory_space<hbm>>
      %dma_start3A_456 = tpu.memref_slice %arg2[%mul3A_2] : memref<819200xi32, #tpu.memory_space<hbm>> -> memref<25600xi32, #tpu.memory_space<hbm>>
      tpu.enqueue_dma source(%dma_start3A_456 : memref<25600xi32, #tpu.memory_space<hbm>>) target(%arg5 : memref<25600xi32, #tpu.memory_space<vmem>>) target_semaphore(%run_scoped3A : memref<!tpu.dma_semaphore, #tpu.memory_space<semaphore_mem>>)
      %dma_wait3A_457 = tpu.memref_slice %arg2[%mul3A_2] : memref<819200xi32, #tpu.memory_space<hbm>> -> memref<25600xi32, #tpu.memory_space<hbm>>
      %dma_wait3A_458 = tpu.memref_slice %arg2[%mul3A_2] : memref<819200xi32, #tpu.memory_space<hbm>> -> memref<25600xi32, #tpu.memory_space<hbm>>
      tpu.wait_dma2 semaphore(%run_scoped3A : memref<!tpu.dma_semaphore, #tpu.memory_space<semaphore_mem>>) src(%dma_wait3A_458 : memref<25600xi32, #tpu.memory_space<hbm>>) dst(%arg5 : memref<25600xi32, #tpu.memory_space<vmem>>)
      tpu.yield
    }) : () -> ()
    %dma_start3A = arith.constant 0 : i32
    %dma_start3A_5 = arith.constant 0 : i32
    %dma_start3A_6 = arith.constant 0 : i32
    %dma_start3A_7 = tpu.memref_slice %arg6[%dma_start3A, %dma_start3A_5, %dma_start3A_6] : memref<8x200x64xf32, #tpu.memory_space<vmem>> -> memref<1x200x64xf32, #tpu.memory_space<vmem>>
    %dma_start3A_8 = tpu.memref_squeeze %dma_start3A_7 : memref<1x200x64xf32, #tpu.memory_space<vmem>> -> memref<200x64xf32, #tpu.memory_space<vmem>>
    %dma_start3A_9 = arith.constant 0 : i32
    %dma_start3A_10 = tpu.memref_slice %arg5[%dma_start3A_9] : memref<25600xi32, #tpu.memory_space<vmem>> -> memref<200xi32, #tpu.memory_space<vmem>>
    %dma_start3A_11 = arith.constant 0 : i32
    %dma_start3A_12 = arith.constant 0 : i32
    %dma_start3A_13 = tpu.memref_slice %arg3[%dma_start3A_11, %dma_start3A_12] : memref<2000000x64xf32, #tpu.memory_space<hbm>> -> memref<2000000x64xf32, #tpu.memory_space<hbm>>
    tpu.enqueue_indirect_dma source(%dma_start3A_13 : memref<2000000x64xf32, #tpu.memory_space<hbm>>) target(%dma_start3A_8 : memref<200x64xf32, #tpu.memory_space<vmem>>) offsets(%dma_start3A_10 : memref<200xi32, #tpu.memory_space<vmem>>) semaphore(%arg7 : memref<!tpu.dma_semaphore, #tpu.memory_space<semaphore_mem>>)
    %dma_start3A_14 = arith.constant 1 : i32
    %dma_start3A_15 = arith.constant 0 : i32
    %dma_start3A_16 = arith.constant 0 : i32
    %dma_start3A_17 = tpu.memref_slice %arg6[%dma_start3A_14, %dma_start3A_15, %dma_start3A_16] : memref<8x200x64xf32, #tpu.memory_space<vmem>> -> memref<1x200x64xf32, #tpu.memory_space<vmem>>
    %dma_start3A_18 = tpu.memref_squeeze %dma_start3A_17 : memref<1x200x64xf32, #tpu.memory_space<vmem>> -> memref<200x64xf32, #tpu.memory_space<vmem>>
    %dma_start3A_19 = arith.constant 200 : i32
    %dma_start3A_20 = tpu.memref_slice %arg5[%dma_start3A_19] : memref<25600xi32, #tpu.memory_space<vmem>> -> memref<200xi32, #tpu.memory_space<vmem>>
    %dma_start3A_21 = arith.constant 0 : i32
    %dma_start3A_22 = arith.constant 0 : i32
    %dma_start3A_23 = tpu.memref_slice %arg3[%dma_start3A_21, %dma_start3A_22] : memref<2000000x64xf32, #tpu.memory_space<hbm>> -> memref<2000000x64xf32, #tpu.memory_space<hbm>>
    tpu.enqueue_indirect_dma source(%dma_start3A_23 : memref<2000000x64xf32, #tpu.memory_space<hbm>>) target(%dma_start3A_18 : memref<200x64xf32, #tpu.memory_space<vmem>>) offsets(%dma_start3A_20 : memref<200xi32, #tpu.memory_space<vmem>>) semaphore(%arg8 : memref<!tpu.dma_semaphore, #tpu.memory_space<semaphore_mem>>)
    %dma_start3A_24 = arith.constant 2 : i32
    %dma_start3A_25 = arith.constant 0 : i32
    %dma_start3A_26 = arith.constant 0 : i32
    %dma_start3A_27 = tpu.memref_slice %arg6[%dma_start3A_24, %dma_start3A_25, %dma_start3A_26] : memref<8x200x64xf32, #tpu.memory_space<vmem>> -> memref<1x200x64xf32, #tpu.memory_space<vmem>>
    %dma_start3A_28 = tpu.memref_squeeze %dma_start3A_27 : memref<1x200x64xf32, #tpu.memory_space<vmem>> -> memref<200x64xf32, #tpu.memory_space<vmem>>
    %dma_start3A_29 = arith.constant 400 : i32
    %dma_start3A_30 = tpu.memref_slice %arg5[%dma_start3A_29] : memref<25600xi32, #tpu.memory_space<vmem>> -> memref<200xi32, #tpu.memory_space<vmem>>
    %dma_start3A_31 = arith.constant 0 : i32
    %dma_start3A_32 = arith.constant 0 : i32
    %dma_start3A_33 = tpu.memref_slice %arg3[%dma_start3A_31, %dma_start3A_32] : memref<2000000x64xf32, #tpu.memory_space<hbm>> -> memref<2000000x64xf32, #tpu.memory_space<hbm>>
    tpu.enqueue_indirect_dma source(%dma_start3A_33 : memref<2000000x64xf32, #tpu.memory_space<hbm>>) target(%dma_start3A_28 : memref<200x64xf32, #tpu.memory_space<vmem>>) offsets(%dma_start3A_30 : memref<200xi32, #tpu.memory_space<vmem>>) semaphore(%arg9 : memref<!tpu.dma_semaphore, #tpu.memory_space<semaphore_mem>>)
    %dma_start3A_34 = arith.constant 3 : i32
    %dma_start3A_35 = arith.constant 0 : i32
    %dma_start3A_36 = arith.constant 0 : i32
    %dma_start3A_37 = tpu.memref_slice %arg6[%dma_start3A_34, %dma_start3A_35, %dma_start3A_36] : memref<8x200x64xf32, #tpu.memory_space<vmem>> -> memref<1x200x64xf32, #tpu.memory_space<vmem>>
    %dma_start3A_38 = tpu.memref_squeeze %dma_start3A_37 : memref<1x200x64xf32, #tpu.memory_space<vmem>> -> memref<200x64xf32, #tpu.memory_space<vmem>>
    %dma_start3A_39 = arith.constant 600 : i32
    %dma_start3A_40 = tpu.memref_slice %arg5[%dma_start3A_39] : memref<25600xi32, #tpu.memory_space<vmem>> -> memref<200xi32, #tpu.memory_space<vmem>>
    %dma_start3A_41 = arith.constant 0 : i32
    %dma_start3A_42 = arith.constant 0 : i32
    %dma_start3A_43 = tpu.memref_slice %arg3[%dma_start3A_41, %dma_start3A_42] : memref<2000000x64xf32, #tpu.memory_space<hbm>> -> memref<2000000x64xf32, #tpu.memory_space<hbm>>
    tpu.enqueue_indirect_dma source(%dma_start3A_43 : memref<2000000x64xf32, #tpu.memory_space<hbm>>) target(%dma_start3A_38 : memref<200x64xf32, #tpu.memory_space<vmem>>) offsets(%dma_start3A_40 : memref<200xi32, #tpu.memory_space<vmem>>) semaphore(%arg10 : memref<!tpu.dma_semaphore, #tpu.memory_space<semaphore_mem>>)
    %dma_start3A_44 = arith.constant 4 : i32
    %dma_start3A_45 = arith.constant 0 : i32
    %dma_start3A_46 = arith.constant 0 : i32
    %dma_start3A_47 = tpu.memref_slice %arg6[%dma_start3A_44, %dma_start3A_45, %dma_start3A_46] : memref<8x200x64xf32, #tpu.memory_space<vmem>> -> memref<1x200x64xf32, #tpu.memory_space<vmem>>
    %dma_start3A_48 = tpu.memref_squeeze %dma_start3A_47 : memref<1x200x64xf32, #tpu.memory_space<vmem>> -> memref<200x64xf32, #tpu.memory_space<vmem>>
    %dma_start3A_49 = arith.constant 800 : i32
    %dma_start3A_50 = tpu.memref_slice %arg5[%dma_start3A_49] : memref<25600xi32, #tpu.memory_space<vmem>> -> memref<200xi32, #tpu.memory_space<vmem>>
    %dma_start3A_51 = arith.constant 0 : i32
    %dma_start3A_52 = arith.constant 0 : i32
    %dma_start3A_53 = tpu.memref_slice %arg3[%dma_start3A_51, %dma_start3A_52] : memref<2000000x64xf32, #tpu.memory_space<hbm>> -> memref<2000000x64xf32, #tpu.memory_space<hbm>>
    tpu.enqueue_indirect_dma source(%dma_start3A_53 : memref<2000000x64xf32, #tpu.memory_space<hbm>>) target(%dma_start3A_48 : memref<200x64xf32, #tpu.memory_space<vmem>>) offsets(%dma_start3A_50 : memref<200xi32, #tpu.memory_space<vmem>>) semaphore(%arg11 : memref<!tpu.dma_semaphore, #tpu.memory_space<semaphore_mem>>)
    %dma_start3A_54 = arith.constant 5 : i32
    %dma_start3A_55 = arith.constant 0 : i32
    %dma_start3A_56 = arith.constant 0 : i32
    %dma_start3A_57 = tpu.memref_slice %arg6[%dma_start3A_54, %dma_start3A_55, %dma_start3A_56] : memref<8x200x64xf32, #tpu.memory_space<vmem>> -> memref<1x200x64xf32, #tpu.memory_space<vmem>>
    %dma_start3A_58 = tpu.memref_squeeze %dma_start3A_57 : memref<1x200x64xf32, #tpu.memory_space<vmem>> -> memref<200x64xf32, #tpu.memory_space<vmem>>
    %dma_start3A_59 = arith.constant 1000 : i32
    %dma_start3A_60 = tpu.memref_slice %arg5[%dma_start3A_59] : memref<25600xi32, #tpu.memory_space<vmem>> -> memref<200xi32, #tpu.memory_space<vmem>>
    %dma_start3A_61 = arith.constant 0 : i32
    %dma_start3A_62 = arith.constant 0 : i32
    %dma_start3A_63 = tpu.memref_slice %arg3[%dma_start3A_61, %dma_start3A_62] : memref<2000000x64xf32, #tpu.memory_space<hbm>> -> memref<2000000x64xf32, #tpu.memory_space<hbm>>
    tpu.enqueue_indirect_dma source(%dma_start3A_63 : memref<2000000x64xf32, #tpu.memory_space<hbm>>) target(%dma_start3A_58 : memref<200x64xf32, #tpu.memory_space<vmem>>) offsets(%dma_start3A_60 : memref<200xi32, #tpu.memory_space<vmem>>) semaphore(%arg12 : memref<!tpu.dma_semaphore, #tpu.memory_space<semaphore_mem>>)
    %dma_start3A_64 = arith.constant 6 : i32
    %dma_start3A_65 = arith.constant 0 : i32
    %dma_start3A_66 = arith.constant 0 : i32
    %dma_start3A_67 = tpu.memref_slice %arg6[%dma_start3A_64, %dma_start3A_65, %dma_start3A_66] : memref<8x200x64xf32, #tpu.memory_space<vmem>> -> memref<1x200x64xf32, #tpu.memory_space<vmem>>
    %dma_start3A_68 = tpu.memref_squeeze %dma_start3A_67 : memref<1x200x64xf32, #tpu.memory_space<vmem>> -> memref<200x64xf32, #tpu.memory_space<vmem>>
    %dma_start3A_69 = arith.constant 1200 : i32
    %dma_start3A_70 = tpu.memref_slice %arg5[%dma_start3A_69] : memref<25600xi32, #tpu.memory_space<vmem>> -> memref<200xi32, #tpu.memory_space<vmem>>
    %dma_start3A_71 = arith.constant 0 : i32
    %dma_start3A_72 = arith.constant 0 : i32
    %dma_start3A_73 = tpu.memref_slice %arg3[%dma_start3A_71, %dma_start3A_72] : memref<2000000x64xf32, #tpu.memory_space<hbm>> -> memref<2000000x64xf32, #tpu.memory_space<hbm>>
    tpu.enqueue_indirect_dma source(%dma_start3A_73 : memref<2000000x64xf32, #tpu.memory_space<hbm>>) target(%dma_start3A_68 : memref<200x64xf32, #tpu.memory_space<vmem>>) offsets(%dma_start3A_70 : memref<200xi32, #tpu.memory_space<vmem>>) semaphore(%arg13 : memref<!tpu.dma_semaphore, #tpu.memory_space<semaphore_mem>>)
    %dma_start3A_74 = arith.constant 7 : i32
    %dma_start3A_75 = arith.constant 0 : i32
    %dma_start3A_76 = arith.constant 0 : i32
    %dma_start3A_77 = tpu.memref_slice %arg6[%dma_start3A_74, %dma_start3A_75, %dma_start3A_76] : memref<8x200x64xf32, #tpu.memory_space<vmem>> -> memref<1x200x64xf32, #tpu.memory_space<vmem>>
    %dma_start3A_78 = tpu.memref_squeeze %dma_start3A_77 : memref<1x200x64xf32, #tpu.memory_space<vmem>> -> memref<200x64xf32, #tpu.memory_space<vmem>>
    %dma_start3A_79 = arith.constant 1400 : i32
    %dma_start3A_80 = tpu.memref_slice %arg5[%dma_start3A_79] : memref<25600xi32, #tpu.memory_space<vmem>> -> memref<200xi32, #tpu.memory_space<vmem>>
    %dma_start3A_81 = arith.constant 0 : i32
    %dma_start3A_82 = arith.constant 0 : i32
    %dma_start3A_83 = tpu.memref_slice %arg3[%dma_start3A_81, %dma_start3A_82] : memref<2000000x64xf32, #tpu.memory_space<hbm>> -> memref<2000000x64xf32, #tpu.memory_space<hbm>>
    tpu.enqueue_indirect_dma source(%dma_start3A_83 : memref<2000000x64xf32, #tpu.memory_space<hbm>>) target(%dma_start3A_78 : memref<200x64xf32, #tpu.memory_space<vmem>>) offsets(%dma_start3A_80 : memref<200xi32, #tpu.memory_space<vmem>>) semaphore(%arg14 : memref<!tpu.dma_semaphore, #tpu.memory_space<semaphore_mem>>)
    %scan3A = arith.constant 0 : i32
    %scan3A_84 = arith.constant 15 : i32
    %scan3A_85 = arith.addi %scan3A, %scan3A_84 : i32
    %scan3A_86 = arith.constant 1 : i32
    scf.for %scan3A_455 = %scan3A to %scan3A_85 step %scan3A_86  : i32 {
      %mul3A_456 = arith.constant 1 : i32
      %mul3A_457 = arith.muli %scan3A_455, %mul3A_456 : i32
      %add3A_458 = arith.constant 0 : i32
      %add3A_459 = arith.addi %add3A_458, %mul3A_457 : i32
      %mul3A_460 = arith.constant 8 : i32
      %mul3A_461 = arith.muli %add3A_459, %mul3A_460 : i32
      %dma_wait3A_462 = arith.constant 0 : i32
      %dma_wait3A_463 = arith.constant 0 : i32
      %dma_wait3A_464 = arith.constant 0 : i32
      %dma_wait3A_465 = tpu.memref_slice %arg6[%dma_wait3A_462, %dma_wait3A_463, %dma_wait3A_464] : memref<8x200x64xf32, #tpu.memory_space<vmem>> -> memref<1x200x64xf32, #tpu.memory_space<vmem>>
      %dma_wait3A_466 = tpu.memref_squeeze %dma_wait3A_465 : memref<1x200x64xf32, #tpu.memory_space<vmem>> -> memref<200x64xf32, #tpu.memory_space<vmem>>
      %dma_wait3A_467 = arith.constant 0 : i32
      %dma_wait3A_468 = tpu.memref_slice %arg5[%dma_wait3A_467] : memref<25600xi32, #tpu.memory_space<vmem>> -> memref<200xi32, #tpu.memory_space<vmem>>
      %dma_wait3A_469 = arith.constant 0 : i32
      %dma_wait3A_470 = arith.constant 0 : i32
      %dma_wait3A_471 = tpu.memref_slice %arg3[%dma_wait3A_469, %dma_wait3A_470] : memref<2000000x64xf32, #tpu.memory_space<hbm>> -> memref<2000000x64xf32, #tpu.memory_space<hbm>>
      tpu.wait_indirect_dma semaphore(%arg7 : memref<!tpu.dma_semaphore, #tpu.memory_space<semaphore_mem>>) src(%dma_wait3A_471 : memref<2000000x64xf32, #tpu.memory_space<hbm>>) dst(%dma_wait3A_466 : memref<200x64xf32, #tpu.memory_space<vmem>>)
      %add3A_472 = arith.constant 0 : i32
      %add3A_473 = arith.addi %mul3A_461, %add3A_472 : i32
      %add3A_474 = arith.addi %mul3A_4, %add3A_473 : i32
      %dma_start3A_475 = arith.constant 0 : i32
      %dma_start3A_476 = arith.constant 0 : i32
      %dma_start3A_477 = arith.constant 0 : i32
      %dma_start3A_478 = tpu.memref_slice %arg6[%dma_start3A_475, %dma_start3A_476, %dma_start3A_477] : memref<8x200x64xf32, #tpu.memory_space<vmem>> -> memref<1x200x64xf32, #tpu.memory_space<vmem>>
      %dma_start3A_479 = tpu.memref_squeeze %dma_start3A_478 : memref<1x200x64xf32, #tpu.memory_space<vmem>> -> memref<200x64xf32, #tpu.memory_space<vmem>>
      %dma_start3A_480 = arith.constant 0 : i32
      %dma_start3A_481 = arith.constant 0 : i32
      %dma_start3A_482 = tpu.memref_slice %arg4[%add3A_474, %dma_start3A_480, %dma_start3A_481] : memref<4096x200x128xf32, #tpu.memory_space<hbm>> -> memref<1x200x64xf32, #tpu.memory_space<hbm>>
      %dma_start3A_483 = tpu.memref_squeeze %dma_start3A_482 : memref<1x200x64xf32, #tpu.memory_space<hbm>> -> memref<200x64xf32, #tpu.memory_space<hbm>>
      %dma_start3A_484 = arith.constant 0 : i32
      %dma_start3A_485 = arith.constant 0 : i32
      %dma_start3A_486 = tpu.memref_slice %arg4[%add3A_474, %dma_start3A_484, %dma_start3A_485] : memref<4096x200x128xf32, #tpu.memory_space<hbm>> -> memref<1x200x64xf32, #tpu.memory_space<hbm>>
      %dma_start3A_487 = tpu.memref_squeeze %dma_start3A_486 : memref<1x200x64xf32, #tpu.memory_space<hbm>> -> memref<200x64xf32, #tpu.memory_space<hbm>>
      %dma_start3A_488 = arith.constant 0 : i32
      %dma_start3A_489 = arith.constant 0 : i32
      %dma_start3A_490 = tpu.memref_slice %arg6[%dma_start3A_475, %dma_start3A_488, %dma_start3A_489] : memref<8x200x64xf32, #tpu.memory_space<vmem>> -> memref<1x200x64xf32, #tpu.memory_space<vmem>>
      %dma_start3A_491 = tpu.memref_squeeze %dma_start3A_490 : memref<1x200x64xf32, #tpu.memory_space<vmem>> -> memref<200x64xf32, #tpu.memory_space<vmem>>
      tpu.enqueue_dma source(%dma_start3A_491 : memref<200x64xf32, #tpu.memory_space<vmem>>) target(%dma_start3A_487 : memref<200x64xf32, #tpu.memory_space<hbm>>) target_semaphore(%arg15 : memref<!tpu.dma_semaphore, #tpu.memory_space<semaphore_mem>>)
      %dma_wait3A_492 = arith.constant 1 : i32
      %dma_wait3A_493 = arith.constant 0 : i32
      %dma_wait3A_494 = arith.constant 0 : i32
      %dma_wait3A_495 = tpu.memref_slice %arg6[%dma_wait3A_492, %dma_wait3A_493, %dma_wait3A_494] : memref<8x200x64xf32, #tpu.memory_space<vmem>> -> memref<1x200x64xf32, #tpu.memory_space<vmem>>
      %dma_wait3A_496 = tpu.memref_squeeze %dma_wait3A_495 : memref<1x200x64xf32, #tpu.memory_space<vmem>> -> memref<200x64xf32, #tpu.memory_space<vmem>>
      %dma_wait3A_497 = arith.constant 0 : i32
      %dma_wait3A_498 = tpu.memref_slice %arg5[%dma_wait3A_497] : memref<25600xi32, #tpu.memory_space<vmem>> -> memref<200xi32, #tpu.memory_space<vmem>>
      %dma_wait3A_499 = arith.constant 0 : i32
      %dma_wait3A_500 = arith.constant 0 : i32
      %dma_wait3A_501 = tpu.memref_slice %arg3[%dma_wait3A_499, %dma_wait3A_500] : memref<2000000x64xf32, #tpu.memory_space<hbm>> -> memref<2000000x64xf32, #tpu.memory_space<hbm>>
      tpu.wait_indirect_dma semaphore(%arg8 : memref<!tpu.dma_semaphore, #tpu.memory_space<semaphore_mem>>) src(%dma_wait3A_501 : memref<2000000x64xf32, #tpu.memory_space<hbm>>) dst(%dma_wait3A_496 : memref<200x64xf32, #tpu.memory_space<vmem>>)
      %add3A_502 = arith.constant 1 : i32
      %add3A_503 = arith.addi %mul3A_461, %add3A_502 : i32
      %add3A_504 = arith.addi %mul3A_4, %add3A_503 : i32
      %dma_start3A_505 = arith.constant 1 : i32
      %dma_start3A_506 = arith.constant 0 : i32
      %dma_start3A_507 = arith.constant 0 : i32
      %dma_start3A_508 = tpu.memref_slice %arg6[%dma_start3A_505, %dma_start3A_506, %dma_start3A_507] : memref<8x200x64xf32, #tpu.memory_space<vmem>> -> memref<1x200x64xf32, #tpu.memory_space<vmem>>
      %dma_start3A_509 = tpu.memref_squeeze %dma_start3A_508 : memref<1x200x64xf32, #tpu.memory_space<vmem>> -> memref<200x64xf32, #tpu.memory_space<vmem>>
      %dma_start3A_510 = arith.constant 0 : i32
      %dma_start3A_511 = arith.constant 0 : i32
      %dma_start3A_512 = tpu.memref_slice %arg4[%add3A_504, %dma_start3A_510, %dma_start3A_511] : memref<4096x200x128xf32, #tpu.memory_space<hbm>> -> memref<1x200x64xf32, #tpu.memory_space<hbm>>
      %dma_start3A_513 = tpu.memref_squeeze %dma_start3A_512 : memref<1x200x64xf32, #tpu.memory_space<hbm>> -> memref<200x64xf32, #tpu.memory_space<hbm>>
      %dma_start3A_514 = arith.constant 0 : i32
      %dma_start3A_515 = arith.constant 0 : i32
      %dma_start3A_516 = tpu.memref_slice %arg4[%add3A_504, %dma_start3A_514, %dma_start3A_515] : memref<4096x200x128xf32, #tpu.memory_space<hbm>> -> memref<1x200x64xf32, #tpu.memory_space<hbm>>
      %dma_start3A_517 = tpu.memref_squeeze %dma_start3A_516 : memref<1x200x64xf32, #tpu.memory_space<hbm>> -> memref<200x64xf32, #tpu.memory_space<hbm>>
      %dma_start3A_518 = arith.constant 0 : i32
      %dma_start3A_519 = arith.constant 0 : i32
      %dma_start3A_520 = tpu.memref_slice %arg6[%dma_start3A_505, %dma_start3A_518, %dma_start3A_519] : memref<8x200x64xf32, #tpu.memory_space<vmem>> -> memref<1x200x64xf32, #tpu.memory_space<vmem>>
      %dma_start3A_521 = tpu.memref_squeeze %dma_start3A_520 : memref<1x200x64xf32, #tpu.memory_space<vmem>> -> memref<200x64xf32, #tpu.memory_space<vmem>>
      tpu.enqueue_dma source(%dma_start3A_521 : memref<200x64xf32, #tpu.memory_space<vmem>>) target(%dma_start3A_517 : memref<200x64xf32, #tpu.memory_space<hbm>>) target_semaphore(%arg16 : memref<!tpu.dma_semaphore, #tpu.memory_space<semaphore_mem>>)
      %dma_wait3A_522 = arith.constant 2 : i32
      %dma_wait3A_523 = arith.constant 0 : i32
      %dma_wait3A_524 = arith.constant 0 : i32
      %dma_wait3A_525 = tpu.memref_slice %arg6[%dma_wait3A_522, %dma_wait3A_523, %dma_wait3A_524] : memref<8x200x64xf32, #tpu.memory_space<vmem>> -> memref<1x200x64xf32, #tpu.memory_space<vmem>>
      %dma_wait3A_526 = tpu.memref_squeeze %dma_wait3A_525 : memref<1x200x64xf32, #tpu.memory_space<vmem>> -> memref<200x64xf32, #tpu.memory_space<vmem>>
      %dma_wait3A_527 = arith.constant 0 : i32
      %dma_wait3A_528 = tpu.memref_slice %arg5[%dma_wait3A_527] : memref<25600xi32, #tpu.memory_space<vmem>> -> memref<200xi32, #tpu.memory_space<vmem>>
      %dma_wait3A_529 = arith.constant 0 : i32
      %dma_wait3A_530 = arith.constant 0 : i32
      %dma_wait3A_531 = tpu.memref_slice %arg3[%dma_wait3A_529, %dma_wait3A_530] : memref<2000000x64xf32, #tpu.memory_space<hbm>> -> memref<2000000x64xf32, #tpu.memory_space<hbm>>
      tpu.wait_indirect_dma semaphore(%arg9 : memref<!tpu.dma_semaphore, #tpu.memory_space<semaphore_mem>>) src(%dma_wait3A_531 : memref<2000000x64xf32, #tpu.memory_space<hbm>>) dst(%dma_wait3A_526 : memref<200x64xf32, #tpu.memory_space<vmem>>)
      %add3A_532 = arith.constant 2 : i32
      %add3A_533 = arith.addi %mul3A_461, %add3A_532 : i32
      %add3A_534 = arith.addi %mul3A_4, %add3A_533 : i32
      %dma_start3A_535 = arith.constant 2 : i32
      %dma_start3A_536 = arith.constant 0 : i32
      %dma_start3A_537 = arith.constant 0 : i32
      %dma_start3A_538 = tpu.memref_slice %arg6[%dma_start3A_535, %dma_start3A_536, %dma_start3A_537] : memref<8x200x64xf32, #tpu.memory_space<vmem>> -> memref<1x200x64xf32, #tpu.memory_space<vmem>>
      %dma_start3A_539 = tpu.memref_squeeze %dma_start3A_538 : memref<1x200x64xf32, #tpu.memory_space<vmem>> -> memref<200x64xf32, #tpu.memory_space<vmem>>
      %dma_start3A_540 = arith.constant 0 : i32
      %dma_start3A_541 = arith.constant 0 : i32
      %dma_start3A_542 = tpu.memref_slice %arg4[%add3A_534, %dma_start3A_540, %dma_start3A_541] : memref<4096x200x128xf32, #tpu.memory_space<hbm>> -> memref<1x200x64xf32, #tpu.memory_space<hbm>>
      %dma_start3A_543 = tpu.memref_squeeze %dma_start3A_542 : memref<1x200x64xf32, #tpu.memory_space<hbm>> -> memref<200x64xf32, #tpu.memory_space<hbm>>
      %dma_start3A_544 = arith.constant 0 : i32
      %dma_start3A_545 = arith.constant 0 : i32
      %dma_start3A_546 = tpu.memref_slice %arg4[%add3A_534, %dma_start3A_544, %dma_start3A_545] : memref<4096x200x128xf32, #tpu.memory_space<hbm>> -> memref<1x200x64xf32, #tpu.memory_space<hbm>>
      %dma_start3A_547 = tpu.memref_squeeze %dma_start3A_546 : memref<1x200x64xf32, #tpu.memory_space<hbm>> -> memref<200x64xf32, #tpu.memory_space<hbm>>
      %dma_start3A_548 = arith.constant 0 : i32
      %dma_start3A_549 = arith.constant 0 : i32
      %dma_start3A_550 = tpu.memref_slice %arg6[%dma_start3A_535, %dma_start3A_548, %dma_start3A_549] : memref<8x200x64xf32, #tpu.memory_space<vmem>> -> memref<1x200x64xf32, #tpu.memory_space<vmem>>
      %dma_start3A_551 = tpu.memref_squeeze %dma_start3A_550 : memref<1x200x64xf32, #tpu.memory_space<vmem>> -> memref<200x64xf32, #tpu.memory_space<vmem>>
      tpu.enqueue_dma source(%dma_start3A_551 : memref<200x64xf32, #tpu.memory_space<vmem>>) target(%dma_start3A_547 : memref<200x64xf32, #tpu.memory_space<hbm>>) target_semaphore(%arg17 : memref<!tpu.dma_semaphore, #tpu.memory_space<semaphore_mem>>)
      %dma_wait3A_552 = arith.constant 3 : i32
      %dma_wait3A_553 = arith.constant 0 : i32
      %dma_wait3A_554 = arith.constant 0 : i32
      %dma_wait3A_555 = tpu.memref_slice %arg6[%dma_wait3A_552, %dma_wait3A_553, %dma_wait3A_554] : memref<8x200x64xf32, #tpu.memory_space<vmem>> -> memref<1x200x64xf32, #tpu.memory_space<vmem>>
      %dma_wait3A_556 = tpu.memref_squeeze %dma_wait3A_555 : memref<1x200x64xf32, #tpu.memory_space<vmem>> -> memref<200x64xf32, #tpu.memory_space<vmem>>
      %dma_wait3A_557 = arith.constant 0 : i32
      %dma_wait3A_558 = tpu.memref_slice %arg5[%dma_wait3A_557] : memref<25600xi32, #tpu.memory_space<vmem>> -> memref<200xi32, #tpu.memory_space<vmem>>
      %dma_wait3A_559 = arith.constant 0 : i32
      %dma_wait3A_560 = arith.constant 0 : i32
      %dma_wait3A_561 = tpu.memref_slice %arg3[%dma_wait3A_559, %dma_wait3A_560] : memref<2000000x64xf32, #tpu.memory_space<hbm>> -> memref<2000000x64xf32, #tpu.memory_space<hbm>>
      tpu.wait_indirect_dma semaphore(%arg10 : memref<!tpu.dma_semaphore, #tpu.memory_space<semaphore_mem>>) src(%dma_wait3A_561 : memref<2000000x64xf32, #tpu.memory_space<hbm>>) dst(%dma_wait3A_556 : memref<200x64xf32, #tpu.memory_space<vmem>>)
      %add3A_562 = arith.constant 3 : i32
      %add3A_563 = arith.addi %mul3A_461, %add3A_562 : i32
      %add3A_564 = arith.addi %mul3A_4, %add3A_563 : i32
      %dma_start3A_565 = arith.constant 3 : i32
      %dma_start3A_566 = arith.constant 0 : i32
      %dma_start3A_567 = arith.constant 0 : i32
      %dma_start3A_568 = tpu.memref_slice %arg6[%dma_start3A_565, %dma_start3A_566, %dma_start3A_567] : memref<8x200x64xf32, #tpu.memory_space<vmem>> -> memref<1x200x64xf32, #tpu.memory_space<vmem>>
      %dma_start3A_569 = tpu.memref_squeeze %dma_start3A_568 : memref<1x200x64xf32, #tpu.memory_space<vmem>> -> memref<200x64xf32, #tpu.memory_space<vmem>>
      %dma_start3A_570 = arith.constant 0 : i32
      %dma_start3A_571 = arith.constant 0 : i32
      %dma_start3A_572 = tpu.memref_slice %arg4[%add3A_564, %dma_start3A_570, %dma_start3A_571] : memref<4096x200x128xf32, #tpu.memory_space<hbm>> -> memref<1x200x64xf32, #tpu.memory_space<hbm>>
      %dma_start3A_573 = tpu.memref_squeeze %dma_start3A_572 : memref<1x200x64xf32, #tpu.memory_space<hbm>> -> memref<200x64xf32, #tpu.memory_space<hbm>>
      %dma_start3A_574 = arith.constant 0 : i32
      %dma_start3A_575 = arith.constant 0 : i32
      %dma_start3A_576 = tpu.memref_slice %arg4[%add3A_564, %dma_start3A_574, %dma_start3A_575] : memref<4096x200x128xf32, #tpu.memory_space<hbm>> -> memref<1x200x64xf32, #tpu.memory_space<hbm>>
      %dma_start3A_577 = tpu.memref_squeeze %dma_start3A_576 : memref<1x200x64xf32, #tpu.memory_space<hbm>> -> memref<200x64xf32, #tpu.memory_space<hbm>>
      %dma_start3A_578 = arith.constant 0 : i32
      %dma_start3A_579 = arith.constant 0 : i32
      %dma_start3A_580 = tpu.memref_slice %arg6[%dma_start3A_565, %dma_start3A_578, %dma_start3A_579] : memref<8x200x64xf32, #tpu.memory_space<vmem>> -> memref<1x200x64xf32, #tpu.memory_space<vmem>>
      %dma_start3A_581 = tpu.memref_squeeze %dma_start3A_580 : memref<1x200x64xf32, #tpu.memory_space<vmem>> -> memref<200x64xf32, #tpu.memory_space<vmem>>
      tpu.enqueue_dma source(%dma_start3A_581 : memref<200x64xf32, #tpu.memory_space<vmem>>) target(%dma_start3A_577 : memref<200x64xf32, #tpu.memory_space<hbm>>) target_semaphore(%arg18 : memref<!tpu.dma_semaphore, #tpu.memory_space<semaphore_mem>>)
      %dma_wait3A_582 = arith.constant 4 : i32
      %dma_wait3A_583 = arith.constant 0 : i32
      %dma_wait3A_584 = arith.constant 0 : i32
      %dma_wait3A_585 = tpu.memref_slice %arg6[%dma_wait3A_582, %dma_wait3A_583, %dma_wait3A_584] : memref<8x200x64xf32, #tpu.memory_space<vmem>> -> memref<1x200x64xf32, #tpu.memory_space<vmem>>
      %dma_wait3A_586 = tpu.memref_squeeze %dma_wait3A_585 : memref<1x200x64xf32, #tpu.memory_space<vmem>> -> memref<200x64xf32, #tpu.memory_space<vmem>>
      %dma_wait3A_587 = arith.constant 0 : i32
      %dma_wait3A_588 = tpu.memref_slice %arg5[%dma_wait3A_587] : memref<25600xi32, #tpu.memory_space<vmem>> -> memref<200xi32, #tpu.memory_space<vmem>>
      %dma_wait3A_589 = arith.constant 0 : i32
      %dma_wait3A_590 = arith.constant 0 : i32
      %dma_wait3A_591 = tpu.memref_slice %arg3[%dma_wait3A_589, %dma_wait3A_590] : memref<2000000x64xf32, #tpu.memory_space<hbm>> -> memref<2000000x64xf32, #tpu.memory_space<hbm>>
      tpu.wait_indirect_dma semaphore(%arg11 : memref<!tpu.dma_semaphore, #tpu.memory_space<semaphore_mem>>) src(%dma_wait3A_591 : memref<2000000x64xf32, #tpu.memory_space<hbm>>) dst(%dma_wait3A_586 : memref<200x64xf32, #tpu.memory_space<vmem>>)
      %add3A_592 = arith.constant 4 : i32
      %add3A_593 = arith.addi %mul3A_461, %add3A_592 : i32
      %add3A_594 = arith.addi %mul3A_4, %add3A_593 : i32
      %dma_start3A_595 = arith.constant 4 : i32
      %dma_start3A_596 = arith.constant 0 : i32
      %dma_start3A_597 = arith.constant 0 : i32
      %dma_start3A_598 = tpu.memref_slice %arg6[%dma_start3A_595, %dma_start3A_596, %dma_start3A_597] : memref<8x200x64xf32, #tpu.memory_space<vmem>> -> memref<1x200x64xf32, #tpu.memory_space<vmem>>
      %dma_start3A_599 = tpu.memref_squeeze %dma_start3A_598 : memref<1x200x64xf32, #tpu.memory_space<vmem>> -> memref<200x64xf32, #tpu.memory_space<vmem>>
      %dma_start3A_600 = arith.constant 0 : i32
      %dma_start3A_601 = arith.constant 0 : i32
      %dma_start3A_602 = tpu.memref_slice %arg4[%add3A_594, %dma_start3A_600, %dma_start3A_601] : memref<4096x200x128xf32, #tpu.memory_space<hbm>> -> memref<1x200x64xf32, #tpu.memory_space<hbm>>
      %dma_start3A_603 = tpu.memref_squeeze %dma_start3A_602 : memref<1x200x64xf32, #tpu.memory_space<hbm>> -> memref<200x64xf32, #tpu.memory_space<hbm>>
      %dma_start3A_604 = arith.constant 0 : i32
      %dma_start3A_605 = arith.constant 0 : i32
      %dma_start3A_606 = tpu.memref_slice %arg4[%add3A_594, %dma_start3A_604, %dma_start3A_605] : memref<4096x200x128xf32, #tpu.memory_space<hbm>> -> memref<1x200x64xf32, #tpu.memory_space<hbm>>
      %dma_start3A_607 = tpu.memref_squeeze %dma_start3A_606 : memref<1x200x64xf32, #tpu.memory_space<hbm>> -> memref<200x64xf32, #tpu.memory_space<hbm>>
      %dma_start3A_608 = arith.constant 0 : i32
      %dma_start3A_609 = arith.constant 0 : i32
      %dma_start3A_610 = tpu.memref_slice %arg6[%dma_start3A_595, %dma_start3A_608, %dma_start3A_609] : memref<8x200x64xf32, #tpu.memory_space<vmem>> -> memref<1x200x64xf32, #tpu.memory_space<vmem>>
      %dma_start3A_611 = tpu.memref_squeeze %dma_start3A_610 : memref<1x200x64xf32, #tpu.memory_space<vmem>> -> memref<200x64xf32, #tpu.memory_space<vmem>>
      tpu.enqueue_dma source(%dma_start3A_611 : memref<200x64xf32, #tpu.memory_space<vmem>>) target(%dma_start3A_607 : memref<200x64xf32, #tpu.memory_space<hbm>>) target_semaphore(%arg19 : memref<!tpu.dma_semaphore, #tpu.memory_space<semaphore_mem>>)
      %dma_wait3A_612 = arith.constant 5 : i32
      %dma_wait3A_613 = arith.constant 0 : i32
      %dma_wait3A_614 = arith.constant 0 : i32
      %dma_wait3A_615 = tpu.memref_slice %arg6[%dma_wait3A_612, %dma_wait3A_613, %dma_wait3A_614] : memref<8x200x64xf32, #tpu.memory_space<vmem>> -> memref<1x200x64xf32, #tpu.memory_space<vmem>>
      %dma_wait3A_616 = tpu.memref_squeeze %dma_wait3A_615 : memref<1x200x64xf32, #tpu.memory_space<vmem>> -> memref<200x64xf32, #tpu.memory_space<vmem>>
      %dma_wait3A_617 = arith.constant 0 : i32
      %dma_wait3A_618 = tpu.memref_slice %arg5[%dma_wait3A_617] : memref<25600xi32, #tpu.memory_space<vmem>> -> memref<200xi32, #tpu.memory_space<vmem>>
      %dma_wait3A_619 = arith.constant 0 : i32
      %dma_wait3A_620 = arith.constant 0 : i32
      %dma_wait3A_621 = tpu.memref_slice %arg3[%dma_wait3A_619, %dma_wait3A_620] : memref<2000000x64xf32, #tpu.memory_space<hbm>> -> memref<2000000x64xf32, #tpu.memory_space<hbm>>
      tpu.wait_indirect_dma semaphore(%arg12 : memref<!tpu.dma_semaphore, #tpu.memory_space<semaphore_mem>>) src(%dma_wait3A_621 : memref<2000000x64xf32, #tpu.memory_space<hbm>>) dst(%dma_wait3A_616 : memref<200x64xf32, #tpu.memory_space<vmem>>)
      %add3A_622 = arith.constant 5 : i32
      %add3A_623 = arith.addi %mul3A_461, %add3A_622 : i32
      %add3A_624 = arith.addi %mul3A_4, %add3A_623 : i32
      %dma_start3A_625 = arith.constant 5 : i32
      %dma_start3A_626 = arith.constant 0 : i32
      %dma_start3A_627 = arith.constant 0 : i32
      %dma_start3A_628 = tpu.memref_slice %arg6[%dma_start3A_625, %dma_start3A_626, %dma_start3A_627] : memref<8x200x64xf32, #tpu.memory_space<vmem>> -> memref<1x200x64xf32, #tpu.memory_space<vmem>>
      %dma_start3A_629 = tpu.memref_squeeze %dma_start3A_628 : memref<1x200x64xf32, #tpu.memory_space<vmem>> -> memref<200x64xf32, #tpu.memory_space<vmem>>
      %dma_start3A_630 = arith.constant 0 : i32
      %dma_start3A_631 = arith.constant 0 : i32
      %dma_start3A_632 = tpu.memref_slice %arg4[%add3A_624, %dma_start3A_630, %dma_start3A_631] : memref<4096x200x128xf32, #tpu.memory_space<hbm>> -> memref<1x200x64xf32, #tpu.memory_space<hbm>>
      %dma_start3A_633 = tpu.memref_squeeze %dma_start3A_632 : memref<1x200x64xf32, #tpu.memory_space<hbm>> -> memref<200x64xf32, #tpu.memory_space<hbm>>
      %dma_start3A_634 = arith.constant 0 : i32
      %dma_start3A_635 = arith.constant 0 : i32
      %dma_start3A_636 = tpu.memref_slice %arg4[%add3A_624, %dma_start3A_634, %dma_start3A_635] : memref<4096x200x128xf32, #tpu.memory_space<hbm>> -> memref<1x200x64xf32, #tpu.memory_space<hbm>>
      %dma_start3A_637 = tpu.memref_squeeze %dma_start3A_636 : memref<1x200x64xf32, #tpu.memory_space<hbm>> -> memref<200x64xf32, #tpu.memory_space<hbm>>
      %dma_start3A_638 = arith.constant 0 : i32
      %dma_start3A_639 = arith.constant 0 : i32
      %dma_start3A_640 = tpu.memref_slice %arg6[%dma_start3A_625, %dma_start3A_638, %dma_start3A_639] : memref<8x200x64xf32, #tpu.memory_space<vmem>> -> memref<1x200x64xf32, #tpu.memory_space<vmem>>
      %dma_start3A_641 = tpu.memref_squeeze %dma_start3A_640 : memref<1x200x64xf32, #tpu.memory_space<vmem>> -> memref<200x64xf32, #tpu.memory_space<vmem>>
      tpu.enqueue_dma source(%dma_start3A_641 : memref<200x64xf32, #tpu.memory_space<vmem>>) target(%dma_start3A_637 : memref<200x64xf32, #tpu.memory_space<hbm>>) target_semaphore(%arg20 : memref<!tpu.dma_semaphore, #tpu.memory_space<semaphore_mem>>)
      %dma_wait3A_642 = arith.constant 6 : i32
      %dma_wait3A_643 = arith.constant 0 : i32
      %dma_wait3A_644 = arith.constant 0 : i32
      %dma_wait3A_645 = tpu.memref_slice %arg6[%dma_wait3A_642, %dma_wait3A_643, %dma_wait3A_644] : memref<8x200x64xf32, #tpu.memory_space<vmem>> -> memref<1x200x64xf32, #tpu.memory_space<vmem>>
      %dma_wait3A_646 = tpu.memref_squeeze %dma_wait3A_645 : memref<1x200x64xf32, #tpu.memory_space<vmem>> -> memref<200x64xf32, #tpu.memory_space<vmem>>
      %dma_wait3A_647 = arith.constant 0 : i32
      %dma_wait3A_648 = tpu.memref_slice %arg5[%dma_wait3A_647] : memref<25600xi32, #tpu.memory_space<vmem>> -> memref<200xi32, #tpu.memory_space<vmem>>
      %dma_wait3A_649 = arith.constant 0 : i32
      %dma_wait3A_650 = arith.constant 0 : i32
      %dma_wait3A_651 = tpu.memref_slice %arg3[%dma_wait3A_649, %dma_wait3A_650] : memref<2000000x64xf32, #tpu.memory_space<hbm>> -> memref<2000000x64xf32, #tpu.memory_space<hbm>>
      tpu.wait_indirect_dma semaphore(%arg13 : memref<!tpu.dma_semaphore, #tpu.memory_space<semaphore_mem>>) src(%dma_wait3A_651 : memref<2000000x64xf32, #tpu.memory_space<hbm>>) dst(%dma_wait3A_646 : memref<200x64xf32, #tpu.memory_space<vmem>>)
      %add3A_652 = arith.constant 6 : i32
      %add3A_653 = arith.addi %mul3A_461, %add3A_652 : i32
      %add3A_654 = arith.addi %mul3A_4, %add3A_653 : i32
      %dma_start3A_655 = arith.constant 6 : i32
      %dma_start3A_656 = arith.constant 0 : i32
      %dma_start3A_657 = arith.constant 0 : i32
      %dma_start3A_658 = tpu.memref_slice %arg6[%dma_start3A_655, %dma_start3A_656, %dma_start3A_657] : memref<8x200x64xf32, #tpu.memory_space<vmem>> -> memref<1x200x64xf32, #tpu.memory_space<vmem>>
      %dma_start3A_659 = tpu.memref_squeeze %dma_start3A_658 : memref<1x200x64xf32, #tpu.memory_space<vmem>> -> memref<200x64xf32, #tpu.memory_space<vmem>>
      %dma_start3A_660 = arith.constant 0 : i32
      %dma_start3A_661 = arith.constant 0 : i32
      %dma_start3A_662 = tpu.memref_slice %arg4[%add3A_654, %dma_start3A_660, %dma_start3A_661] : memref<4096x200x128xf32, #tpu.memory_space<hbm>> -> memref<1x200x64xf32, #tpu.memory_space<hbm>>
      %dma_start3A_663 = tpu.memref_squeeze %dma_start3A_662 : memref<1x200x64xf32, #tpu.memory_space<hbm>> -> memref<200x64xf32, #tpu.memory_space<hbm>>
      %dma_start3A_664 = arith.constant 0 : i32
      %dma_start3A_665 = arith.constant 0 : i32
      %dma_start3A_666 = tpu.memref_slice %arg4[%add3A_654, %dma_start3A_664, %dma_start3A_665] : memref<4096x200x128xf32, #tpu.memory_space<hbm>> -> memref<1x200x64xf32, #tpu.memory_space<hbm>>
      %dma_start3A_667 = tpu.memref_squeeze %dma_start3A_666 : memref<1x200x64xf32, #tpu.memory_space<hbm>> -> memref<200x64xf32, #tpu.memory_space<hbm>>
      %dma_start3A_668 = arith.constant 0 : i32
      %dma_start3A_669 = arith.constant 0 : i32
      %dma_start3A_670 = tpu.memref_slice %arg6[%dma_start3A_655, %dma_start3A_668, %dma_start3A_669] : memref<8x200x64xf32, #tpu.memory_space<vmem>> -> memref<1x200x64xf32, #tpu.memory_space<vmem>>
      %dma_start3A_671 = tpu.memref_squeeze %dma_start3A_670 : memref<1x200x64xf32, #tpu.memory_space<vmem>> -> memref<200x64xf32, #tpu.memory_space<vmem>>
      tpu.enqueue_dma source(%dma_start3A_671 : memref<200x64xf32, #tpu.memory_space<vmem>>) target(%dma_start3A_667 : memref<200x64xf32, #tpu.memory_space<hbm>>) target_semaphore(%arg21 : memref<!tpu.dma_semaphore, #tpu.memory_space<semaphore_mem>>)
      %dma_wait3A_672 = arith.constant 7 : i32
      %dma_wait3A_673 = arith.constant 0 : i32
      %dma_wait3A_674 = arith.constant 0 : i32
      %dma_wait3A_675 = tpu.memref_slice %arg6[%dma_wait3A_672, %dma_wait3A_673, %dma_wait3A_674] : memref<8x200x64xf32, #tpu.memory_space<vmem>> -> memref<1x200x64xf32, #tpu.memory_space<vmem>>
      %dma_wait3A_676 = tpu.memref_squeeze %dma_wait3A_675 : memref<1x200x64xf32, #tpu.memory_space<vmem>> -> memref<200x64xf32, #tpu.memory_space<vmem>>
      %dma_wait3A_677 = arith.constant 0 : i32
      %dma_wait3A_678 = tpu.memref_slice %arg5[%dma_wait3A_677] : memref<25600xi32, #tpu.memory_space<vmem>> -> memref<200xi32, #tpu.memory_space<vmem>>
      %dma_wait3A_679 = arith.constant 0 : i32
      %dma_wait3A_680 = arith.constant 0 : i32
      %dma_wait3A_681 = tpu.memref_slice %arg3[%dma_wait3A_679, %dma_wait3A_680] : memref<2000000x64xf32, #tpu.memory_space<hbm>> -> memref<2000000x64xf32, #tpu.memory_space<hbm>>
      tpu.wait_indirect_dma semaphore(%arg14 : memref<!tpu.dma_semaphore, #tpu.memory_space<semaphore_mem>>) src(%dma_wait3A_681 : memref<2000000x64xf32, #tpu.memory_space<hbm>>) dst(%dma_wait3A_676 : memref<200x64xf32, #tpu.memory_space<vmem>>)
      %add3A_682 = arith.constant 7 : i32
      %add3A_683 = arith.addi %mul3A_461, %add3A_682 : i32
      %add3A_684 = arith.addi %mul3A_4, %add3A_683 : i32
      %dma_start3A_685 = arith.constant 7 : i32
      %dma_start3A_686 = arith.constant 0 : i32
      %dma_start3A_687 = arith.constant 0 : i32
      %dma_start3A_688 = tpu.memref_slice %arg6[%dma_start3A_685, %dma_start3A_686, %dma_start3A_687] : memref<8x200x64xf32, #tpu.memory_space<vmem>> -> memref<1x200x64xf32, #tpu.memory_space<vmem>>
      %dma_start3A_689 = tpu.memref_squeeze %dma_start3A_688 : memref<1x200x64xf32, #tpu.memory_space<vmem>> -> memref<200x64xf32, #tpu.memory_space<vmem>>
      %dma_start3A_690 = arith.constant 0 : i32
      %dma_start3A_691 = arith.constant 0 : i32
      %dma_start3A_692 = tpu.memref_slice %arg4[%add3A_684, %dma_start3A_690, %dma_start3A_691] : memref<4096x200x128xf32, #tpu.memory_space<hbm>> -> memref<1x200x64xf32, #tpu.memory_space<hbm>>
      %dma_start3A_693 = tpu.memref_squeeze %dma_start3A_692 : memref<1x200x64xf32, #tpu.memory_space<hbm>> -> memref<200x64xf32, #tpu.memory_space<hbm>>
      %dma_start3A_694 = arith.constant 0 : i32
      %dma_start3A_695 = arith.constant 0 : i32
      %dma_start3A_696 = tpu.memref_slice %arg4[%add3A_684, %dma_start3A_694, %dma_start3A_695] : memref<4096x200x128xf32, #tpu.memory_space<hbm>> -> memref<1x200x64xf32, #tpu.memory_space<hbm>>
      %dma_start3A_697 = tpu.memref_squeeze %dma_start3A_696 : memref<1x200x64xf32, #tpu.memory_space<hbm>> -> memref<200x64xf32, #tpu.memory_space<hbm>>
      %dma_start3A_698 = arith.constant 0 : i32
      %dma_start3A_699 = arith.constant 0 : i32
      %dma_start3A_700 = tpu.memref_slice %arg6[%dma_start3A_685, %dma_start3A_698, %dma_start3A_699] : memref<8x200x64xf32, #tpu.memory_space<vmem>> -> memref<1x200x64xf32, #tpu.memory_space<vmem>>
      %dma_start3A_701 = tpu.memref_squeeze %dma_start3A_700 : memref<1x200x64xf32, #tpu.memory_space<vmem>> -> memref<200x64xf32, #tpu.memory_space<vmem>>
      tpu.enqueue_dma source(%dma_start3A_701 : memref<200x64xf32, #tpu.memory_space<vmem>>) target(%dma_start3A_697 : memref<200x64xf32, #tpu.memory_space<hbm>>) target_semaphore(%arg22 : memref<!tpu.dma_semaphore, #tpu.memory_space<semaphore_mem>>)
      %dma_wait3A_702 = arith.constant 0 : i32
      %dma_wait3A_703 = arith.constant 0 : i32
      %dma_wait3A_704 = arith.constant 0 : i32
      %dma_wait3A_705 = tpu.memref_slice %arg6[%dma_wait3A_702, %dma_wait3A_703, %dma_wait3A_704] : memref<8x200x64xf32, #tpu.memory_space<vmem>> -> memref<1x200x64xf32, #tpu.memory_space<vmem>>
      %dma_wait3A_706 = tpu.memref_squeeze %dma_wait3A_705 : memref<1x200x64xf32, #tpu.memory_space<vmem>> -> memref<200x64xf32, #tpu.memory_space<vmem>>
      %dma_wait3A_707 = arith.constant 0 : i32
      %dma_wait3A_708 = arith.constant 0 : i32
      %dma_wait3A_709 = tpu.memref_slice %arg4[%mul3A_4, %dma_wait3A_707, %dma_wait3A_708] : memref<4096x200x128xf32, #tpu.memory_space<hbm>> -> memref<1x200x64xf32, #tpu.memory_space<hbm>>
      %dma_wait3A_710 = tpu.memref_squeeze %dma_wait3A_709 : memref<1x200x64xf32, #tpu.memory_space<hbm>> -> memref<200x64xf32, #tpu.memory_space<hbm>>
      %dma_wait3A_711 = arith.constant 0 : i32
      %dma_wait3A_712 = arith.constant 0 : i32
      %dma_wait3A_713 = tpu.memref_slice %arg4[%mul3A_4, %dma_wait3A_711, %dma_wait3A_712] : memref<4096x200x128xf32, #tpu.memory_space<hbm>> -> memref<1x200x64xf32, #tpu.memory_space<hbm>>
      %dma_wait3A_714 = tpu.memref_squeeze %dma_wait3A_713 : memref<1x200x64xf32, #tpu.memory_space<hbm>> -> memref<200x64xf32, #tpu.memory_space<hbm>>
      %dma_wait3A_715 = arith.constant 0 : i32
      %dma_wait3A_716 = arith.constant 0 : i32
      %dma_wait3A_717 = tpu.memref_slice %arg6[%dma_wait3A_702, %dma_wait3A_715, %dma_wait3A_716] : memref<8x200x64xf32, #tpu.memory_space<vmem>> -> memref<1x200x64xf32, #tpu.memory_space<vmem>>
      %dma_wait3A_718 = tpu.memref_squeeze %dma_wait3A_717 : memref<1x200x64xf32, #tpu.memory_space<vmem>> -> memref<200x64xf32, #tpu.memory_space<vmem>>
      tpu.wait_dma2 semaphore(%arg15 : memref<!tpu.dma_semaphore, #tpu.memory_space<semaphore_mem>>) src(%dma_wait3A_718 : memref<200x64xf32, #tpu.memory_space<vmem>>) dst(%dma_wait3A_714 : memref<200x64xf32, #tpu.memory_space<hbm>>)
      %add3A_719 = arith.constant 0 : i32
      %add3A_720 = arith.addi %mul3A_461, %add3A_719 : i32
      %add3A_721 = arith.constant 8 : i32
      %add3A_722 = arith.addi %add3A_720, %add3A_721 : i32
      %mul3A_723 = arith.constant 200 : i32
      %mul3A_724 = arith.muli %add3A_722, %mul3A_723 : i32
      %dma_start3A_725 = arith.constant 0 : i32
      %dma_start3A_726 = arith.constant 0 : i32
      %dma_start3A_727 = arith.constant 0 : i32
      %dma_start3A_728 = tpu.memref_slice %arg6[%dma_start3A_725, %dma_start3A_726, %dma_start3A_727] : memref<8x200x64xf32, #tpu.memory_space<vmem>> -> memref<1x200x64xf32, #tpu.memory_space<vmem>>
      %dma_start3A_729 = tpu.memref_squeeze %dma_start3A_728 : memref<1x200x64xf32, #tpu.memory_space<vmem>> -> memref<200x64xf32, #tpu.memory_space<vmem>>
      %dma_start3A_730 = tpu.memref_slice %arg5[%mul3A_724] : memref<25600xi32, #tpu.memory_space<vmem>> -> memref<200xi32, #tpu.memory_space<vmem>>
      %dma_start3A_731 = arith.constant 0 : i32
      %dma_start3A_732 = arith.constant 0 : i32
      %dma_start3A_733 = tpu.memref_slice %arg3[%dma_start3A_731, %dma_start3A_732] : memref<2000000x64xf32, #tpu.memory_space<hbm>> -> memref<2000000x64xf32, #tpu.memory_space<hbm>>
      tpu.enqueue_indirect_dma source(%dma_start3A_733 : memref<2000000x64xf32, #tpu.memory_space<hbm>>) target(%dma_start3A_729 : memref<200x64xf32, #tpu.memory_space<vmem>>) offsets(%dma_start3A_730 : memref<200xi32, #tpu.memory_space<vmem>>) semaphore(%arg7 : memref<!tpu.dma_semaphore, #tpu.memory_space<semaphore_mem>>)
      %dma_wait3A_734 = arith.constant 1 : i32
      %dma_wait3A_735 = arith.constant 0 : i32
      %dma_wait3A_736 = arith.constant 0 : i32
      %dma_wait3A_737 = tpu.memref_slice %arg6[%dma_wait3A_734, %dma_wait3A_735, %dma_wait3A_736] : memref<8x200x64xf32, #tpu.memory_space<vmem>> -> memref<1x200x64xf32, #tpu.memory_space<vmem>>
      %dma_wait3A_738 = tpu.memref_squeeze %dma_wait3A_737 : memref<1x200x64xf32, #tpu.memory_space<vmem>> -> memref<200x64xf32, #tpu.memory_space<vmem>>
      %dma_wait3A_739 = arith.constant 0 : i32
      %dma_wait3A_740 = arith.constant 0 : i32
      %dma_wait3A_741 = tpu.memref_slice %arg4[%mul3A_4, %dma_wait3A_739, %dma_wait3A_740] : memref<4096x200x128xf32, #tpu.memory_space<hbm>> -> memref<1x200x64xf32, #tpu.memory_space<hbm>>
      %dma_wait3A_742 = tpu.memref_squeeze %dma_wait3A_741 : memref<1x200x64xf32, #tpu.memory_space<hbm>> -> memref<200x64xf32, #tpu.memory_space<hbm>>
      %dma_wait3A_743 = arith.constant 0 : i32
      %dma_wait3A_744 = arith.constant 0 : i32
      %dma_wait3A_745 = tpu.memref_slice %arg4[%mul3A_4, %dma_wait3A_743, %dma_wait3A_744] : memref<4096x200x128xf32, #tpu.memory_space<hbm>> -> memref<1x200x64xf32, #tpu.memory_space<hbm>>
      %dma_wait3A_746 = tpu.memref_squeeze %dma_wait3A_745 : memref<1x200x64xf32, #tpu.memory_space<hbm>> -> memref<200x64xf32, #tpu.memory_space<hbm>>
      %dma_wait3A_747 = arith.constant 0 : i32
      %dma_wait3A_748 = arith.constant 0 : i32
      %dma_wait3A_749 = tpu.memref_slice %arg6[%dma_wait3A_734, %dma_wait3A_747, %dma_wait3A_748] : memref<8x200x64xf32, #tpu.memory_space<vmem>> -> memref<1x200x64xf32, #tpu.memory_space<vmem>>
      %dma_wait3A_750 = tpu.memref_squeeze %dma_wait3A_749 : memref<1x200x64xf32, #tpu.memory_space<vmem>> -> memref<200x64xf32, #tpu.memory_space<vmem>>
      tpu.wait_dma2 semaphore(%arg16 : memref<!tpu.dma_semaphore, #tpu.memory_space<semaphore_mem>>) src(%dma_wait3A_750 : memref<200x64xf32, #tpu.memory_space<vmem>>) dst(%dma_wait3A_746 : memref<200x64xf32, #tpu.memory_space<hbm>>)
      %add3A_751 = arith.constant 1 : i32
      %add3A_752 = arith.addi %mul3A_461, %add3A_751 : i32
      %add3A_753 = arith.constant 8 : i32
      %add3A_754 = arith.addi %add3A_752, %add3A_753 : i32
      %mul3A_755 = arith.constant 200 : i32
      %mul3A_756 = arith.muli %add3A_754, %mul3A_755 : i32
      %dma_start3A_757 = arith.constant 1 : i32
      %dma_start3A_758 = arith.constant 0 : i32
      %dma_start3A_759 = arith.constant 0 : i32
      %dma_start3A_760 = tpu.memref_slice %arg6[%dma_start3A_757, %dma_start3A_758, %dma_start3A_759] : memref<8x200x64xf32, #tpu.memory_space<vmem>> -> memref<1x200x64xf32, #tpu.memory_space<vmem>>
      %dma_start3A_761 = tpu.memref_squeeze %dma_start3A_760 : memref<1x200x64xf32, #tpu.memory_space<vmem>> -> memref<200x64xf32, #tpu.memory_space<vmem>>
      %dma_start3A_762 = tpu.memref_slice %arg5[%mul3A_756] : memref<25600xi32, #tpu.memory_space<vmem>> -> memref<200xi32, #tpu.memory_space<vmem>>
      %dma_start3A_763 = arith.constant 0 : i32
      %dma_start3A_764 = arith.constant 0 : i32
      %dma_start3A_765 = tpu.memref_slice %arg3[%dma_start3A_763, %dma_start3A_764] : memref<2000000x64xf32, #tpu.memory_space<hbm>> -> memref<2000000x64xf32, #tpu.memory_space<hbm>>
      tpu.enqueue_indirect_dma source(%dma_start3A_765 : memref<2000000x64xf32, #tpu.memory_space<hbm>>) target(%dma_start3A_761 : memref<200x64xf32, #tpu.memory_space<vmem>>) offsets(%dma_start3A_762 : memref<200xi32, #tpu.memory_space<vmem>>) semaphore(%arg8 : memref<!tpu.dma_semaphore, #tpu.memory_space<semaphore_mem>>)
      %dma_wait3A_766 = arith.constant 2 : i32
      %dma_wait3A_767 = arith.constant 0 : i32
      %dma_wait3A_768 = arith.constant 0 : i32
      %dma_wait3A_769 = tpu.memref_slice %arg6[%dma_wait3A_766, %dma_wait3A_767, %dma_wait3A_768] : memref<8x200x64xf32, #tpu.memory_space<vmem>> -> memref<1x200x64xf32, #tpu.memory_space<vmem>>
      %dma_wait3A_770 = tpu.memref_squeeze %dma_wait3A_769 : memref<1x200x64xf32, #tpu.memory_space<vmem>> -> memref<200x64xf32, #tpu.memory_space<vmem>>
      %dma_wait3A_771 = arith.constant 0 : i32
      %dma_wait3A_772 = arith.constant 0 : i32
      %dma_wait3A_773 = tpu.memref_slice %arg4[%mul3A_4, %dma_wait3A_771, %dma_wait3A_772] : memref<4096x200x128xf32, #tpu.memory_space<hbm>> -> memref<1x200x64xf32, #tpu.memory_space<hbm>>
      %dma_wait3A_774 = tpu.memref_squeeze %dma_wait3A_773 : memref<1x200x64xf32, #tpu.memory_space<hbm>> -> memref<200x64xf32, #tpu.memory_space<hbm>>
      %dma_wait3A_775 = arith.constant 0 : i32
      %dma_wait3A_776 = arith.constant 0 : i32
      %dma_wait3A_777 = tpu.memref_slice %arg4[%mul3A_4, %dma_wait3A_775, %dma_wait3A_776] : memref<4096x200x128xf32, #tpu.memory_space<hbm>> -> memref<1x200x64xf32, #tpu.memory_space<hbm>>
      %dma_wait3A_778 = tpu.memref_squeeze %dma_wait3A_777 : memref<1x200x64xf32, #tpu.memory_space<hbm>> -> memref<200x64xf32, #tpu.memory_space<hbm>>
      %dma_wait3A_779 = arith.constant 0 : i32
      %dma_wait3A_780 = arith.constant 0 : i32
      %dma_wait3A_781 = tpu.memref_slice %arg6[%dma_wait3A_766, %dma_wait3A_779, %dma_wait3A_780] : memref<8x200x64xf32, #tpu.memory_space<vmem>> -> memref<1x200x64xf32, #tpu.memory_space<vmem>>
      %dma_wait3A_782 = tpu.memref_squeeze %dma_wait3A_781 : memref<1x200x64xf32, #tpu.memory_space<vmem>> -> memref<200x64xf32, #tpu.memory_space<vmem>>
      tpu.wait_dma2 semaphore(%arg17 : memref<!tpu.dma_semaphore, #tpu.memory_space<semaphore_mem>>) src(%dma_wait3A_782 : memref<200x64xf32, #tpu.memory_space<vmem>>) dst(%dma_wait3A_778 : memref<200x64xf32, #tpu.memory_space<hbm>>)
      %add3A_783 = arith.constant 2 : i32
      %add3A_784 = arith.addi %mul3A_461, %add3A_783 : i32
      %add3A_785 = arith.constant 8 : i32
      %add3A_786 = arith.addi %add3A_784, %add3A_785 : i32
      %mul3A_787 = arith.constant 200 : i32
      %mul3A_788 = arith.muli %add3A_786, %mul3A_787 : i32
      %dma_start3A_789 = arith.constant 2 : i32
      %dma_start3A_790 = arith.constant 0 : i32
      %dma_start3A_791 = arith.constant 0 : i32
      %dma_start3A_792 = tpu.memref_slice %arg6[%dma_start3A_789, %dma_start3A_790, %dma_start3A_791] : memref<8x200x64xf32, #tpu.memory_space<vmem>> -> memref<1x200x64xf32, #tpu.memory_space<vmem>>
      %dma_start3A_793 = tpu.memref_squeeze %dma_start3A_792 : memref<1x200x64xf32, #tpu.memory_space<vmem>> -> memref<200x64xf32, #tpu.memory_space<vmem>>
      %dma_start3A_794 = tpu.memref_slice %arg5[%mul3A_788] : memref<25600xi32, #tpu.memory_space<vmem>> -> memref<200xi32, #tpu.memory_space<vmem>>
      %dma_start3A_795 = arith.constant 0 : i32
      %dma_start3A_796 = arith.constant 0 : i32
      %dma_start3A_797 = tpu.memref_slice %arg3[%dma_start3A_795, %dma_start3A_796] : memref<2000000x64xf32, #tpu.memory_space<hbm>> -> memref<2000000x64xf32, #tpu.memory_space<hbm>>
      tpu.enqueue_indirect_dma source(%dma_start3A_797 : memref<2000000x64xf32, #tpu.memory_space<hbm>>) target(%dma_start3A_793 : memref<200x64xf32, #tpu.memory_space<vmem>>) offsets(%dma_start3A_794 : memref<200xi32, #tpu.memory_space<vmem>>) semaphore(%arg9 : memref<!tpu.dma_semaphore, #tpu.memory_space<semaphore_mem>>)
      %dma_wait3A_798 = arith.constant 3 : i32
      %dma_wait3A_799 = arith.constant 0 : i32
      %dma_wait3A_800 = arith.constant 0 : i32
      %dma_wait3A_801 = tpu.memref_slice %arg6[%dma_wait3A_798, %dma_wait3A_799, %dma_wait3A_800] : memref<8x200x64xf32, #tpu.memory_space<vmem>> -> memref<1x200x64xf32, #tpu.memory_space<vmem>>
      %dma_wait3A_802 = tpu.memref_squeeze %dma_wait3A_801 : memref<1x200x64xf32, #tpu.memory_space<vmem>> -> memref<200x64xf32, #tpu.memory_space<vmem>>
      %dma_wait3A_803 = arith.constant 0 : i32
      %dma_wait3A_804 = arith.constant 0 : i32
      %dma_wait3A_805 = tpu.memref_slice %arg4[%mul3A_4, %dma_wait3A_803, %dma_wait3A_804] : memref<4096x200x128xf32, #tpu.memory_space<hbm>> -> memref<1x200x64xf32, #tpu.memory_space<hbm>>
      %dma_wait3A_806 = tpu.memref_squeeze %dma_wait3A_805 : memref<1x200x64xf32, #tpu.memory_space<hbm>> -> memref<200x64xf32, #tpu.memory_space<hbm>>
      %dma_wait3A_807 = arith.constant 0 : i32
      %dma_wait3A_808 = arith.constant 0 : i32
      %dma_wait3A_809 = tpu.memref_slice %arg4[%mul3A_4, %dma_wait3A_807, %dma_wait3A_808] : memref<4096x200x128xf32, #tpu.memory_space<hbm>> -> memref<1x200x64xf32, #tpu.memory_space<hbm>>
      %dma_wait3A_810 = tpu.memref_squeeze %dma_wait3A_809 : memref<1x200x64xf32, #tpu.memory_space<hbm>> -> memref<200x64xf32, #tpu.memory_space<hbm>>
      %dma_wait3A_811 = arith.constant 0 : i32
      %dma_wait3A_812 = arith.constant 0 : i32
      %dma_wait3A_813 = tpu.memref_slice %arg6[%dma_wait3A_798, %dma_wait3A_811, %dma_wait3A_812] : memref<8x200x64xf32, #tpu.memory_space<vmem>> -> memref<1x200x64xf32, #tpu.memory_space<vmem>>
      %dma_wait3A_814 = tpu.memref_squeeze %dma_wait3A_813 : memref<1x200x64xf32, #tpu.memory_space<vmem>> -> memref<200x64xf32, #tpu.memory_space<vmem>>
      tpu.wait_dma2 semaphore(%arg18 : memref<!tpu.dma_semaphore, #tpu.memory_space<semaphore_mem>>) src(%dma_wait3A_814 : memref<200x64xf32, #tpu.memory_space<vmem>>) dst(%dma_wait3A_810 : memref<200x64xf32, #tpu.memory_space<hbm>>)
      %add3A_815 = arith.constant 3 : i32
      %add3A_816 = arith.addi %mul3A_461, %add3A_815 : i32
      %add3A_817 = arith.constant 8 : i32
      %add3A_818 = arith.addi %add3A_816, %add3A_817 : i32
      %mul3A_819 = arith.constant 200 : i32
      %mul3A_820 = arith.muli %add3A_818, %mul3A_819 : i32
      %dma_start3A_821 = arith.constant 3 : i32
      %dma_start3A_822 = arith.constant 0 : i32
      %dma_start3A_823 = arith.constant 0 : i32
      %dma_start3A_824 = tpu.memref_slice %arg6[%dma_start3A_821, %dma_start3A_822, %dma_start3A_823] : memref<8x200x64xf32, #tpu.memory_space<vmem>> -> memref<1x200x64xf32, #tpu.memory_space<vmem>>
      %dma_start3A_825 = tpu.memref_squeeze %dma_start3A_824 : memref<1x200x64xf32, #tpu.memory_space<vmem>> -> memref<200x64xf32, #tpu.memory_space<vmem>>
      %dma_start3A_826 = tpu.memref_slice %arg5[%mul3A_820] : memref<25600xi32, #tpu.memory_space<vmem>> -> memref<200xi32, #tpu.memory_space<vmem>>
      %dma_start3A_827 = arith.constant 0 : i32
      %dma_start3A_828 = arith.constant 0 : i32
      %dma_start3A_829 = tpu.memref_slice %arg3[%dma_start3A_827, %dma_start3A_828] : memref<2000000x64xf32, #tpu.memory_space<hbm>> -> memref<2000000x64xf32, #tpu.memory_space<hbm>>
      tpu.enqueue_indirect_dma source(%dma_start3A_829 : memref<2000000x64xf32, #tpu.memory_space<hbm>>) target(%dma_start3A_825 : memref<200x64xf32, #tpu.memory_space<vmem>>) offsets(%dma_start3A_826 : memref<200xi32, #tpu.memory_space<vmem>>) semaphore(%arg10 : memref<!tpu.dma_semaphore, #tpu.memory_space<semaphore_mem>>)
      %dma_wait3A_830 = arith.constant 4 : i32
      %dma_wait3A_831 = arith.constant 0 : i32
      %dma_wait3A_832 = arith.constant 0 : i32
      %dma_wait3A_833 = tpu.memref_slice %arg6[%dma_wait3A_830, %dma_wait3A_831, %dma_wait3A_832] : memref<8x200x64xf32, #tpu.memory_space<vmem>> -> memref<1x200x64xf32, #tpu.memory_space<vmem>>
      %dma_wait3A_834 = tpu.memref_squeeze %dma_wait3A_833 : memref<1x200x64xf32, #tpu.memory_space<vmem>> -> memref<200x64xf32, #tpu.memory_space<vmem>>
      %dma_wait3A_835 = arith.constant 0 : i32
      %dma_wait3A_836 = arith.constant 0 : i32
      %dma_wait3A_837 = tpu.memref_slice %arg4[%mul3A_4, %dma_wait3A_835, %dma_wait3A_836] : memref<4096x200x128xf32, #tpu.memory_space<hbm>> -> memref<1x200x64xf32, #tpu.memory_space<hbm>>
      %dma_wait3A_838 = tpu.memref_squeeze %dma_wait3A_837 : memref<1x200x64xf32, #tpu.memory_space<hbm>> -> memref<200x64xf32, #tpu.memory_space<hbm>>
      %dma_wait3A_839 = arith.constant 0 : i32
      %dma_wait3A_840 = arith.constant 0 : i32
      %dma_wait3A_841 = tpu.memref_slice %arg4[%mul3A_4, %dma_wait3A_839, %dma_wait3A_840] : memref<4096x200x128xf32, #tpu.memory_space<hbm>> -> memref<1x200x64xf32, #tpu.memory_space<hbm>>
      %dma_wait3A_842 = tpu.memref_squeeze %dma_wait3A_841 : memref<1x200x64xf32, #tpu.memory_space<hbm>> -> memref<200x64xf32, #tpu.memory_space<hbm>>
      %dma_wait3A_843 = arith.constant 0 : i32
      %dma_wait3A_844 = arith.constant 0 : i32
      %dma_wait3A_845 = tpu.memref_slice %arg6[%dma_wait3A_830, %dma_wait3A_843, %dma_wait3A_844] : memref<8x200x64xf32, #tpu.memory_space<vmem>> -> memref<1x200x64xf32, #tpu.memory_space<vmem>>
      %dma_wait3A_846 = tpu.memref_squeeze %dma_wait3A_845 : memref<1x200x64xf32, #tpu.memory_space<vmem>> -> memref<200x64xf32, #tpu.memory_space<vmem>>
      tpu.wait_dma2 semaphore(%arg19 : memref<!tpu.dma_semaphore, #tpu.memory_space<semaphore_mem>>) src(%dma_wait3A_846 : memref<200x64xf32, #tpu.memory_space<vmem>>) dst(%dma_wait3A_842 : memref<200x64xf32, #tpu.memory_space<hbm>>)
      %add3A_847 = arith.constant 4 : i32
      %add3A_848 = arith.addi %mul3A_461, %add3A_847 : i32
      %add3A_849 = arith.constant 8 : i32
      %add3A_850 = arith.addi %add3A_848, %add3A_849 : i32
      %mul3A_851 = arith.constant 200 : i32
      %mul3A_852 = arith.muli %add3A_850, %mul3A_851 : i32
      %dma_start3A_853 = arith.constant 4 : i32
      %dma_start3A_854 = arith.constant 0 : i32
      %dma_start3A_855 = arith.constant 0 : i32
      %dma_start3A_856 = tpu.memref_slice %arg6[%dma_start3A_853, %dma_start3A_854, %dma_start3A_855] : memref<8x200x64xf32, #tpu.memory_space<vmem>> -> memref<1x200x64xf32, #tpu.memory_space<vmem>>
      %dma_start3A_857 = tpu.memref_squeeze %dma_start3A_856 : memref<1x200x64xf32, #tpu.memory_space<vmem>> -> memref<200x64xf32, #tpu.memory_space<vmem>>
      %dma_start3A_858 = tpu.memref_slice %arg5[%mul3A_852] : memref<25600xi32, #tpu.memory_space<vmem>> -> memref<200xi32, #tpu.memory_space<vmem>>
      %dma_start3A_859 = arith.constant 0 : i32
      %dma_start3A_860 = arith.constant 0 : i32
      %dma_start3A_861 = tpu.memref_slice %arg3[%dma_start3A_859, %dma_start3A_860] : memref<2000000x64xf32, #tpu.memory_space<hbm>> -> memref<2000000x64xf32, #tpu.memory_space<hbm>>
      tpu.enqueue_indirect_dma source(%dma_start3A_861 : memref<2000000x64xf32, #tpu.memory_space<hbm>>) target(%dma_start3A_857 : memref<200x64xf32, #tpu.memory_space<vmem>>) offsets(%dma_start3A_858 : memref<200xi32, #tpu.memory_space<vmem>>) semaphore(%arg11 : memref<!tpu.dma_semaphore, #tpu.memory_space<semaphore_mem>>)
      %dma_wait3A_862 = arith.constant 5 : i32
      %dma_wait3A_863 = arith.constant 0 : i32
      %dma_wait3A_864 = arith.constant 0 : i32
      %dma_wait3A_865 = tpu.memref_slice %arg6[%dma_wait3A_862, %dma_wait3A_863, %dma_wait3A_864] : memref<8x200x64xf32, #tpu.memory_space<vmem>> -> memref<1x200x64xf32, #tpu.memory_space<vmem>>
      %dma_wait3A_866 = tpu.memref_squeeze %dma_wait3A_865 : memref<1x200x64xf32, #tpu.memory_space<vmem>> -> memref<200x64xf32, #tpu.memory_space<vmem>>
      %dma_wait3A_867 = arith.constant 0 : i32
      %dma_wait3A_868 = arith.constant 0 : i32
      %dma_wait3A_869 = tpu.memref_slice %arg4[%mul3A_4, %dma_wait3A_867, %dma_wait3A_868] : memref<4096x200x128xf32, #tpu.memory_space<hbm>> -> memref<1x200x64xf32, #tpu.memory_space<hbm>>
      %dma_wait3A_870 = tpu.memref_squeeze %dma_wait3A_869 : memref<1x200x64xf32, #tpu.memory_space<hbm>> -> memref<200x64xf32, #tpu.memory_space<hbm>>
      %dma_wait3A_871 = arith.constant 0 : i32
      %dma_wait3A_872 = arith.constant 0 : i32
      %dma_wait3A_873 = tpu.memref_slice %arg4[%mul3A_4, %dma_wait3A_871, %dma_wait3A_872] : memref<4096x200x128xf32, #tpu.memory_space<hbm>> -> memref<1x200x64xf32, #tpu.memory_space<hbm>>
      %dma_wait3A_874 = tpu.memref_squeeze %dma_wait3A_873 : memref<1x200x64xf32, #tpu.memory_space<hbm>> -> memref<200x64xf32, #tpu.memory_space<hbm>>
      %dma_wait3A_875 = arith.constant 0 : i32
      %dma_wait3A_876 = arith.constant 0 : i32
      %dma_wait3A_877 = tpu.memref_slice %arg6[%dma_wait3A_862, %dma_wait3A_875, %dma_wait3A_876] : memref<8x200x64xf32, #tpu.memory_space<vmem>> -> memref<1x200x64xf32, #tpu.memory_space<vmem>>
      %dma_wait3A_878 = tpu.memref_squeeze %dma_wait3A_877 : memref<1x200x64xf32, #tpu.memory_space<vmem>> -> memref<200x64xf32, #tpu.memory_space<vmem>>
      tpu.wait_dma2 semaphore(%arg20 : memref<!tpu.dma_semaphore, #tpu.memory_space<semaphore_mem>>) src(%dma_wait3A_878 : memref<200x64xf32, #tpu.memory_space<vmem>>) dst(%dma_wait3A_874 : memref<200x64xf32, #tpu.memory_space<hbm>>)
      %add3A_879 = arith.constant 5 : i32
      %add3A_880 = arith.addi %mul3A_461, %add3A_879 : i32
      %add3A_881 = arith.constant 8 : i32
      %add3A_882 = arith.addi %add3A_880, %add3A_881 : i32
      %mul3A_883 = arith.constant 200 : i32
      %mul3A_884 = arith.muli %add3A_882, %mul3A_883 : i32
      %dma_start3A_885 = arith.constant 5 : i32
      %dma_start3A_886 = arith.constant 0 : i32
      %dma_start3A_887 = arith.constant 0 : i32
      %dma_start3A_888 = tpu.memref_slice %arg6[%dma_start3A_885, %dma_start3A_886, %dma_start3A_887] : memref<8x200x64xf32, #tpu.memory_space<vmem>> -> memref<1x200x64xf32, #tpu.memory_space<vmem>>
      %dma_start3A_889 = tpu.memref_squeeze %dma_start3A_888 : memref<1x200x64xf32, #tpu.memory_space<vmem>> -> memref<200x64xf32, #tpu.memory_space<vmem>>
      %dma_start3A_890 = tpu.memref_slice %arg5[%mul3A_884] : memref<25600xi32, #tpu.memory_space<vmem>> -> memref<200xi32, #tpu.memory_space<vmem>>
      %dma_start3A_891 = arith.constant 0 : i32
      %dma_start3A_892 = arith.constant 0 : i32
      %dma_start3A_893 = tpu.memref_slice %arg3[%dma_start3A_891, %dma_start3A_892] : memref<2000000x64xf32, #tpu.memory_space<hbm>> -> memref<2000000x64xf32, #tpu.memory_space<hbm>>
      tpu.enqueue_indirect_dma source(%dma_start3A_893 : memref<2000000x64xf32, #tpu.memory_space<hbm>>) target(%dma_start3A_889 : memref<200x64xf32, #tpu.memory_space<vmem>>) offsets(%dma_start3A_890 : memref<200xi32, #tpu.memory_space<vmem>>) semaphore(%arg12 : memref<!tpu.dma_semaphore, #tpu.memory_space<semaphore_mem>>)
      %dma_wait3A_894 = arith.constant 6 : i32
      %dma_wait3A_895 = arith.constant 0 : i32
      %dma_wait3A_896 = arith.constant 0 : i32
      %dma_wait3A_897 = tpu.memref_slice %arg6[%dma_wait3A_894, %dma_wait3A_895, %dma_wait3A_896] : memref<8x200x64xf32, #tpu.memory_space<vmem>> -> memref<1x200x64xf32, #tpu.memory_space<vmem>>
      %dma_wait3A_898 = tpu.memref_squeeze %dma_wait3A_897 : memref<1x200x64xf32, #tpu.memory_space<vmem>> -> memref<200x64xf32, #tpu.memory_space<vmem>>
      %dma_wait3A_899 = arith.constant 0 : i32
      %dma_wait3A_900 = arith.constant 0 : i32
      %dma_wait3A_901 = tpu.memref_slice %arg4[%mul3A_4, %dma_wait3A_899, %dma_wait3A_900] : memref<4096x200x128xf32, #tpu.memory_space<hbm>> -> memref<1x200x64xf32, #tpu.memory_space<hbm>>
      %dma_wait3A_902 = tpu.memref_squeeze %dma_wait3A_901 : memref<1x200x64xf32, #tpu.memory_space<hbm>> -> memref<200x64xf32, #tpu.memory_space<hbm>>
      %dma_wait3A_903 = arith.constant 0 : i32
      %dma_wait3A_904 = arith.constant 0 : i32
      %dma_wait3A_905 = tpu.memref_slice %arg4[%mul3A_4, %dma_wait3A_903, %dma_wait3A_904] : memref<4096x200x128xf32, #tpu.memory_space<hbm>> -> memref<1x200x64xf32, #tpu.memory_space<hbm>>
      %dma_wait3A_906 = tpu.memref_squeeze %dma_wait3A_905 : memref<1x200x64xf32, #tpu.memory_space<hbm>> -> memref<200x64xf32, #tpu.memory_space<hbm>>
      %dma_wait3A_907 = arith.constant 0 : i32
      %dma_wait3A_908 = arith.constant 0 : i32
      %dma_wait3A_909 = tpu.memref_slice %arg6[%dma_wait3A_894, %dma_wait3A_907, %dma_wait3A_908] : memref<8x200x64xf32, #tpu.memory_space<vmem>> -> memref<1x200x64xf32, #tpu.memory_space<vmem>>
      %dma_wait3A_910 = tpu.memref_squeeze %dma_wait3A_909 : memref<1x200x64xf32, #tpu.memory_space<vmem>> -> memref<200x64xf32, #tpu.memory_space<vmem>>
      tpu.wait_dma2 semaphore(%arg21 : memref<!tpu.dma_semaphore, #tpu.memory_space<semaphore_mem>>) src(%dma_wait3A_910 : memref<200x64xf32, #tpu.memory_space<vmem>>) dst(%dma_wait3A_906 : memref<200x64xf32, #tpu.memory_space<hbm>>)
      %add3A_911 = arith.constant 6 : i32
      %add3A_912 = arith.addi %mul3A_461, %add3A_911 : i32
      %add3A_913 = arith.constant 8 : i32
      %add3A_914 = arith.addi %add3A_912, %add3A_913 : i32
      %mul3A_915 = arith.constant 200 : i32
      %mul3A_916 = arith.muli %add3A_914, %mul3A_915 : i32
      %dma_start3A_917 = arith.constant 6 : i32
      %dma_start3A_918 = arith.constant 0 : i32
      %dma_start3A_919 = arith.constant 0 : i32
      %dma_start3A_920 = tpu.memref_slice %arg6[%dma_start3A_917, %dma_start3A_918, %dma_start3A_919] : memref<8x200x64xf32, #tpu.memory_space<vmem>> -> memref<1x200x64xf32, #tpu.memory_space<vmem>>
      %dma_start3A_921 = tpu.memref_squeeze %dma_start3A_920 : memref<1x200x64xf32, #tpu.memory_space<vmem>> -> memref<200x64xf32, #tpu.memory_space<vmem>>
      %dma_start3A_922 = tpu.memref_slice %arg5[%mul3A_916] : memref<25600xi32, #tpu.memory_space<vmem>> -> memref<200xi32, #tpu.memory_space<vmem>>
      %dma_start3A_923 = arith.constant 0 : i32
      %dma_start3A_924 = arith.constant 0 : i32
      %dma_start3A_925 = tpu.memref_slice %arg3[%dma_start3A_923, %dma_start3A_924] : memref<2000000x64xf32, #tpu.memory_space<hbm>> -> memref<2000000x64xf32, #tpu.memory_space<hbm>>
      tpu.enqueue_indirect_dma source(%dma_start3A_925 : memref<2000000x64xf32, #tpu.memory_space<hbm>>) target(%dma_start3A_921 : memref<200x64xf32, #tpu.memory_space<vmem>>) offsets(%dma_start3A_922 : memref<200xi32, #tpu.memory_space<vmem>>) semaphore(%arg13 : memref<!tpu.dma_semaphore, #tpu.memory_space<semaphore_mem>>)
      %dma_wait3A_926 = arith.constant 7 : i32
      %dma_wait3A_927 = arith.constant 0 : i32
      %dma_wait3A_928 = arith.constant 0 : i32
      %dma_wait3A_929 = tpu.memref_slice %arg6[%dma_wait3A_926, %dma_wait3A_927, %dma_wait3A_928] : memref<8x200x64xf32, #tpu.memory_space<vmem>> -> memref<1x200x64xf32, #tpu.memory_space<vmem>>
      %dma_wait3A_930 = tpu.memref_squeeze %dma_wait3A_929 : memref<1x200x64xf32, #tpu.memory_space<vmem>> -> memref<200x64xf32, #tpu.memory_space<vmem>>
      %dma_wait3A_931 = arith.constant 0 : i32
      %dma_wait3A_932 = arith.constant 0 : i32
      %dma_wait3A_933 = tpu.memref_slice %arg4[%mul3A_4, %dma_wait3A_931, %dma_wait3A_932] : memref<4096x200x128xf32, #tpu.memory_space<hbm>> -> memref<1x200x64xf32, #tpu.memory_space<hbm>>
      %dma_wait3A_934 = tpu.memref_squeeze %dma_wait3A_933 : memref<1x200x64xf32, #tpu.memory_space<hbm>> -> memref<200x64xf32, #tpu.memory_space<hbm>>
      %dma_wait3A_935 = arith.constant 0 : i32
      %dma_wait3A_936 = arith.constant 0 : i32
      %dma_wait3A_937 = tpu.memref_slice %arg4[%mul3A_4, %dma_wait3A_935, %dma_wait3A_936] : memref<4096x200x128xf32, #tpu.memory_space<hbm>> -> memref<1x200x64xf32, #tpu.memory_space<hbm>>
      %dma_wait3A_938 = tpu.memref_squeeze %dma_wait3A_937 : memref<1x200x64xf32, #tpu.memory_space<hbm>> -> memref<200x64xf32, #tpu.memory_space<hbm>>
      %dma_wait3A_939 = arith.constant 0 : i32
      %dma_wait3A_940 = arith.constant 0 : i32
      %dma_wait3A_941 = tpu.memref_slice %arg6[%dma_wait3A_926, %dma_wait3A_939, %dma_wait3A_940] : memref<8x200x64xf32, #tpu.memory_space<vmem>> -> memref<1x200x64xf32, #tpu.memory_space<vmem>>
      %dma_wait3A_942 = tpu.memref_squeeze %dma_wait3A_941 : memref<1x200x64xf32, #tpu.memory_space<vmem>> -> memref<200x64xf32, #tpu.memory_space<vmem>>
      tpu.wait_dma2 semaphore(%arg22 : memref<!tpu.dma_semaphore, #tpu.memory_space<semaphore_mem>>) src(%dma_wait3A_942 : memref<200x64xf32, #tpu.memory_space<vmem>>) dst(%dma_wait3A_938 : memref<200x64xf32, #tpu.memory_space<hbm>>)
      %add3A_943 = arith.constant 7 : i32
      %add3A_944 = arith.addi %mul3A_461, %add3A_943 : i32
      %add3A_945 = arith.constant 8 : i32
      %add3A_946 = arith.addi %add3A_944, %add3A_945 : i32
      %mul3A_947 = arith.constant 200 : i32
      %mul3A_948 = arith.muli %add3A_946, %mul3A_947 : i32
      %dma_start3A_949 = arith.constant 7 : i32
      %dma_start3A_950 = arith.constant 0 : i32
      %dma_start3A_951 = arith.constant 0 : i32
      %dma_start3A_952 = tpu.memref_slice %arg6[%dma_start3A_949, %dma_start3A_950, %dma_start3A_951] : memref<8x200x64xf32, #tpu.memory_space<vmem>> -> memref<1x200x64xf32, #tpu.memory_space<vmem>>
      %dma_start3A_953 = tpu.memref_squeeze %dma_start3A_952 : memref<1x200x64xf32, #tpu.memory_space<vmem>> -> memref<200x64xf32, #tpu.memory_space<vmem>>
      %dma_start3A_954 = tpu.memref_slice %arg5[%mul3A_948] : memref<25600xi32, #tpu.memory_space<vmem>> -> memref<200xi32, #tpu.memory_space<vmem>>
      %dma_start3A_955 = arith.constant 0 : i32
      %dma_start3A_956 = arith.constant 0 : i32
      %dma_start3A_957 = tpu.memref_slice %arg3[%dma_start3A_955, %dma_start3A_956] : memref<2000000x64xf32, #tpu.memory_space<hbm>> -> memref<2000000x64xf32, #tpu.memory_space<hbm>>
      tpu.enqueue_indirect_dma source(%dma_start3A_957 : memref<2000000x64xf32, #tpu.memory_space<hbm>>) target(%dma_start3A_953 : memref<200x64xf32, #tpu.memory_space<vmem>>) offsets(%dma_start3A_954 : memref<200xi32, #tpu.memory_space<vmem>>) semaphore(%arg14 : memref<!tpu.dma_semaphore, #tpu.memory_space<semaphore_mem>>)
    }
    %scan3A_87 = arith.constant 15 : i32
    %dma_wait3A = arith.constant 0 : i32
    %dma_wait3A_88 = arith.constant 0 : i32
    %dma_wait3A_89 = arith.constant 0 : i32
    %dma_wait3A_90 = tpu.memref_slice %arg6[%dma_wait3A, %dma_wait3A_88, %dma_wait3A_89] : memref<8x200x64xf32, #tpu.memory_space<vmem>> -> memref<1x200x64xf32, #tpu.memory_space<vmem>>
    %dma_wait3A_91 = tpu.memref_squeeze %dma_wait3A_90 : memref<1x200x64xf32, #tpu.memory_space<vmem>> -> memref<200x64xf32, #tpu.memory_space<vmem>>
    %dma_wait3A_92 = arith.constant 0 : i32
    %dma_wait3A_93 = tpu.memref_slice %arg5[%dma_wait3A_92] : memref<25600xi32, #tpu.memory_space<vmem>> -> memref<200xi32, #tpu.memory_space<vmem>>
    %dma_wait3A_94 = arith.constant 0 : i32
    %dma_wait3A_95 = arith.constant 0 : i32
    %dma_wait3A_96 = tpu.memref_slice %arg3[%dma_wait3A_94, %dma_wait3A_95] : memref<2000000x64xf32, #tpu.memory_space<hbm>> -> memref<2000000x64xf32, #tpu.memory_space<hbm>>
    tpu.wait_indirect_dma semaphore(%arg7 : memref<!tpu.dma_semaphore, #tpu.memory_space<semaphore_mem>>) src(%dma_wait3A_96 : memref<2000000x64xf32, #tpu.memory_space<hbm>>) dst(%dma_wait3A_91 : memref<200x64xf32, #tpu.memory_space<vmem>>)
    %add3A_97 = arith.constant 120 : i32
    %add3A_98 = arith.addi %mul3A_4, %add3A_97 : i32
    %dma_start3A_99 = arith.constant 0 : i32
    %dma_start3A_100 = arith.constant 0 : i32
    %dma_start3A_101 = arith.constant 0 : i32
    %dma_start3A_102 = tpu.memref_slice %arg6[%dma_start3A_99, %dma_start3A_100, %dma_start3A_101] : memref<8x200x64xf32, #tpu.memory_space<vmem>> -> memref<1x200x64xf32, #tpu.memory_space<vmem>>
    %dma_start3A_103 = tpu.memref_squeeze %dma_start3A_102 : memref<1x200x64xf32, #tpu.memory_space<vmem>> -> memref<200x64xf32, #tpu.memory_space<vmem>>
    %dma_start3A_104 = arith.constant 0 : i32
    %dma_start3A_105 = arith.constant 0 : i32
    %dma_start3A_106 = tpu.memref_slice %arg4[%add3A_98, %dma_start3A_104, %dma_start3A_105] : memref<4096x200x128xf32, #tpu.memory_space<hbm>> -> memref<1x200x64xf32, #tpu.memory_space<hbm>>
    %dma_start3A_107 = tpu.memref_squeeze %dma_start3A_106 : memref<1x200x64xf32, #tpu.memory_space<hbm>> -> memref<200x64xf32, #tpu.memory_space<hbm>>
    %dma_start3A_108 = arith.constant 0 : i32
    %dma_start3A_109 = arith.constant 0 : i32
    %dma_start3A_110 = tpu.memref_slice %arg4[%add3A_98, %dma_start3A_108, %dma_start3A_109] : memref<4096x200x128xf32, #tpu.memory_space<hbm>> -> memref<1x200x64xf32, #tpu.memory_space<hbm>>
    %dma_start3A_111 = tpu.memref_squeeze %dma_start3A_110 : memref<1x200x64xf32, #tpu.memory_space<hbm>> -> memref<200x64xf32, #tpu.memory_space<hbm>>
    %dma_start3A_112 = arith.constant 0 : i32
    %dma_start3A_113 = arith.constant 0 : i32
    %dma_start3A_114 = tpu.memref_slice %arg6[%dma_start3A_99, %dma_start3A_112, %dma_start3A_113] : memref<8x200x64xf32, #tpu.memory_space<vmem>> -> memref<1x200x64xf32, #tpu.memory_space<vmem>>
    %dma_start3A_115 = tpu.memref_squeeze %dma_start3A_114 : memref<1x200x64xf32, #tpu.memory_space<vmem>> -> memref<200x64xf32, #tpu.memory_space<vmem>>
    tpu.enqueue_dma source(%dma_start3A_115 : memref<200x64xf32, #tpu.memory_space<vmem>>) target(%dma_start3A_111 : memref<200x64xf32, #tpu.memory_space<hbm>>) target_semaphore(%arg15 : memref<!tpu.dma_semaphore, #tpu.memory_space<semaphore_mem>>)
    %dma_wait3A_116 = arith.constant 1 : i32
    %dma_wait3A_117 = arith.constant 0 : i32
    %dma_wait3A_118 = arith.constant 0 : i32
    %dma_wait3A_119 = tpu.memref_slice %arg6[%dma_wait3A_116, %dma_wait3A_117, %dma_wait3A_118] : memref<8x200x64xf32, #tpu.memory_space<vmem>> -> memref<1x200x64xf32, #tpu.memory_space<vmem>>
    %dma_wait3A_120 = tpu.memref_squeeze %dma_wait3A_119 : memref<1x200x64xf32, #tpu.memory_space<vmem>> -> memref<200x64xf32, #tpu.memory_space<vmem>>
    %dma_wait3A_121 = arith.constant 0 : i32
    %dma_wait3A_122 = tpu.memref_slice %arg5[%dma_wait3A_121] : memref<25600xi32, #tpu.memory_space<vmem>> -> memref<200xi32, #tpu.memory_space<vmem>>
    %dma_wait3A_123 = arith.constant 0 : i32
    %dma_wait3A_124 = arith.constant 0 : i32
    %dma_wait3A_125 = tpu.memref_slice %arg3[%dma_wait3A_123, %dma_wait3A_124] : memref<2000000x64xf32, #tpu.memory_space<hbm>> -> memref<2000000x64xf32, #tpu.memory_space<hbm>>
    tpu.wait_indirect_dma semaphore(%arg8 : memref<!tpu.dma_semaphore, #tpu.memory_space<semaphore_mem>>) src(%dma_wait3A_125 : memref<2000000x64xf32, #tpu.memory_space<hbm>>) dst(%dma_wait3A_120 : memref<200x64xf32, #tpu.memory_space<vmem>>)
    %add3A_126 = arith.constant 121 : i32
    %add3A_127 = arith.addi %mul3A_4, %add3A_126 : i32
    %dma_start3A_128 = arith.constant 1 : i32
    %dma_start3A_129 = arith.constant 0 : i32
    %dma_start3A_130 = arith.constant 0 : i32
    %dma_start3A_131 = tpu.memref_slice %arg6[%dma_start3A_128, %dma_start3A_129, %dma_start3A_130] : memref<8x200x64xf32, #tpu.memory_space<vmem>> -> memref<1x200x64xf32, #tpu.memory_space<vmem>>
    %dma_start3A_132 = tpu.memref_squeeze %dma_start3A_131 : memref<1x200x64xf32, #tpu.memory_space<vmem>> -> memref<200x64xf32, #tpu.memory_space<vmem>>
    %dma_start3A_133 = arith.constant 0 : i32
    %dma_start3A_134 = arith.constant 0 : i32
    %dma_start3A_135 = tpu.memref_slice %arg4[%add3A_127, %dma_start3A_133, %dma_start3A_134] : memref<4096x200x128xf32, #tpu.memory_space<hbm>> -> memref<1x200x64xf32, #tpu.memory_space<hbm>>
    %dma_start3A_136 = tpu.memref_squeeze %dma_start3A_135 : memref<1x200x64xf32, #tpu.memory_space<hbm>> -> memref<200x64xf32, #tpu.memory_space<hbm>>
    %dma_start3A_137 = arith.constant 0 : i32
    %dma_start3A_138 = arith.constant 0 : i32
    %dma_start3A_139 = tpu.memref_slice %arg4[%add3A_127, %dma_start3A_137, %dma_start3A_138] : memref<4096x200x128xf32, #tpu.memory_space<hbm>> -> memref<1x200x64xf32, #tpu.memory_space<hbm>>
    %dma_start3A_140 = tpu.memref_squeeze %dma_start3A_139 : memref<1x200x64xf32, #tpu.memory_space<hbm>> -> memref<200x64xf32, #tpu.memory_space<hbm>>
    %dma_start3A_141 = arith.constant 0 : i32
    %dma_start3A_142 = arith.constant 0 : i32
    %dma_start3A_143 = tpu.memref_slice %arg6[%dma_start3A_128, %dma_start3A_141, %dma_start3A_142] : memref<8x200x64xf32, #tpu.memory_space<vmem>> -> memref<1x200x64xf32, #tpu.memory_space<vmem>>
    %dma_start3A_144 = tpu.memref_squeeze %dma_start3A_143 : memref<1x200x64xf32, #tpu.memory_space<vmem>> -> memref<200x64xf32, #tpu.memory_space<vmem>>
    tpu.enqueue_dma source(%dma_start3A_144 : memref<200x64xf32, #tpu.memory_space<vmem>>) target(%dma_start3A_140 : memref<200x64xf32, #tpu.memory_space<hbm>>) target_semaphore(%arg16 : memref<!tpu.dma_semaphore, #tpu.memory_space<semaphore_mem>>)
    %dma_wait3A_145 = arith.constant 2 : i32
    %dma_wait3A_146 = arith.constant 0 : i32
    %dma_wait3A_147 = arith.constant 0 : i32
    %dma_wait3A_148 = tpu.memref_slice %arg6[%dma_wait3A_145, %dma_wait3A_146, %dma_wait3A_147] : memref<8x200x64xf32, #tpu.memory_space<vmem>> -> memref<1x200x64xf32, #tpu.memory_space<vmem>>
    %dma_wait3A_149 = tpu.memref_squeeze %dma_wait3A_148 : memref<1x200x64xf32, #tpu.memory_space<vmem>> -> memref<200x64xf32, #tpu.memory_space<vmem>>
    %dma_wait3A_150 = arith.constant 0 : i32
    %dma_wait3A_151 = tpu.memref_slice %arg5[%dma_wait3A_150] : memref<25600xi32, #tpu.memory_space<vmem>> -> memref<200xi32, #tpu.memory_space<vmem>>
    %dma_wait3A_152 = arith.constant 0 : i32
    %dma_wait3A_153 = arith.constant 0 : i32
    %dma_wait3A_154 = tpu.memref_slice %arg3[%dma_wait3A_152, %dma_wait3A_153] : memref<2000000x64xf32, #tpu.memory_space<hbm>> -> memref<2000000x64xf32, #tpu.memory_space<hbm>>
    tpu.wait_indirect_dma semaphore(%arg9 : memref<!tpu.dma_semaphore, #tpu.memory_space<semaphore_mem>>) src(%dma_wait3A_154 : memref<2000000x64xf32, #tpu.memory_space<hbm>>) dst(%dma_wait3A_149 : memref<200x64xf32, #tpu.memory_space<vmem>>)
    %add3A_155 = arith.constant 122 : i32
    %add3A_156 = arith.addi %mul3A_4, %add3A_155 : i32
    %dma_start3A_157 = arith.constant 2 : i32
    %dma_start3A_158 = arith.constant 0 : i32
    %dma_start3A_159 = arith.constant 0 : i32
    %dma_start3A_160 = tpu.memref_slice %arg6[%dma_start3A_157, %dma_start3A_158, %dma_start3A_159] : memref<8x200x64xf32, #tpu.memory_space<vmem>> -> memref<1x200x64xf32, #tpu.memory_space<vmem>>
    %dma_start3A_161 = tpu.memref_squeeze %dma_start3A_160 : memref<1x200x64xf32, #tpu.memory_space<vmem>> -> memref<200x64xf32, #tpu.memory_space<vmem>>
    %dma_start3A_162 = arith.constant 0 : i32
    %dma_start3A_163 = arith.constant 0 : i32
    %dma_start3A_164 = tpu.memref_slice %arg4[%add3A_156, %dma_start3A_162, %dma_start3A_163] : memref<4096x200x128xf32, #tpu.memory_space<hbm>> -> memref<1x200x64xf32, #tpu.memory_space<hbm>>
    %dma_start3A_165 = tpu.memref_squeeze %dma_start3A_164 : memref<1x200x64xf32, #tpu.memory_space<hbm>> -> memref<200x64xf32, #tpu.memory_space<hbm>>
    %dma_start3A_166 = arith.constant 0 : i32
    %dma_start3A_167 = arith.constant 0 : i32
    %dma_start3A_168 = tpu.memref_slice %arg4[%add3A_156, %dma_start3A_166, %dma_start3A_167] : memref<4096x200x128xf32, #tpu.memory_space<hbm>> -> memref<1x200x64xf32, #tpu.memory_space<hbm>>
    %dma_start3A_169 = tpu.memref_squeeze %dma_start3A_168 : memref<1x200x64xf32, #tpu.memory_space<hbm>> -> memref<200x64xf32, #tpu.memory_space<hbm>>
    %dma_start3A_170 = arith.constant 0 : i32
    %dma_start3A_171 = arith.constant 0 : i32
    %dma_start3A_172 = tpu.memref_slice %arg6[%dma_start3A_157, %dma_start3A_170, %dma_start3A_171] : memref<8x200x64xf32, #tpu.memory_space<vmem>> -> memref<1x200x64xf32, #tpu.memory_space<vmem>>
    %dma_start3A_173 = tpu.memref_squeeze %dma_start3A_172 : memref<1x200x64xf32, #tpu.memory_space<vmem>> -> memref<200x64xf32, #tpu.memory_space<vmem>>
    tpu.enqueue_dma source(%dma_start3A_173 : memref<200x64xf32, #tpu.memory_space<vmem>>) target(%dma_start3A_169 : memref<200x64xf32, #tpu.memory_space<hbm>>) target_semaphore(%arg17 : memref<!tpu.dma_semaphore, #tpu.memory_space<semaphore_mem>>)
    %dma_wait3A_174 = arith.constant 3 : i32
    %dma_wait3A_175 = arith.constant 0 : i32
    %dma_wait3A_176 = arith.constant 0 : i32
    %dma_wait3A_177 = tpu.memref_slice %arg6[%dma_wait3A_174, %dma_wait3A_175, %dma_wait3A_176] : memref<8x200x64xf32, #tpu.memory_space<vmem>> -> memref<1x200x64xf32, #tpu.memory_space<vmem>>
    %dma_wait3A_178 = tpu.memref_squeeze %dma_wait3A_177 : memref<1x200x64xf32, #tpu.memory_space<vmem>> -> memref<200x64xf32, #tpu.memory_space<vmem>>
    %dma_wait3A_179 = arith.constant 0 : i32
    %dma_wait3A_180 = tpu.memref_slice %arg5[%dma_wait3A_179] : memref<25600xi32, #tpu.memory_space<vmem>> -> memref<200xi32, #tpu.memory_space<vmem>>
    %dma_wait3A_181 = arith.constant 0 : i32
    %dma_wait3A_182 = arith.constant 0 : i32
    %dma_wait3A_183 = tpu.memref_slice %arg3[%dma_wait3A_181, %dma_wait3A_182] : memref<2000000x64xf32, #tpu.memory_space<hbm>> -> memref<2000000x64xf32, #tpu.memory_space<hbm>>
    tpu.wait_indirect_dma semaphore(%arg10 : memref<!tpu.dma_semaphore, #tpu.memory_space<semaphore_mem>>) src(%dma_wait3A_183 : memref<2000000x64xf32, #tpu.memory_space<hbm>>) dst(%dma_wait3A_178 : memref<200x64xf32, #tpu.memory_space<vmem>>)
    %add3A_184 = arith.constant 123 : i32
    %add3A_185 = arith.addi %mul3A_4, %add3A_184 : i32
    %dma_start3A_186 = arith.constant 3 : i32
    %dma_start3A_187 = arith.constant 0 : i32
    %dma_start3A_188 = arith.constant 0 : i32
    %dma_start3A_189 = tpu.memref_slice %arg6[%dma_start3A_186, %dma_start3A_187, %dma_start3A_188] : memref<8x200x64xf32, #tpu.memory_space<vmem>> -> memref<1x200x64xf32, #tpu.memory_space<vmem>>
    %dma_start3A_190 = tpu.memref_squeeze %dma_start3A_189 : memref<1x200x64xf32, #tpu.memory_space<vmem>> -> memref<200x64xf32, #tpu.memory_space<vmem>>
    %dma_start3A_191 = arith.constant 0 : i32
    %dma_start3A_192 = arith.constant 0 : i32
    %dma_start3A_193 = tpu.memref_slice %arg4[%add3A_185, %dma_start3A_191, %dma_start3A_192] : memref<4096x200x128xf32, #tpu.memory_space<hbm>> -> memref<1x200x64xf32, #tpu.memory_space<hbm>>
    %dma_start3A_194 = tpu.memref_squeeze %dma_start3A_193 : memref<1x200x64xf32, #tpu.memory_space<hbm>> -> memref<200x64xf32, #tpu.memory_space<hbm>>
    %dma_start3A_195 = arith.constant 0 : i32
    %dma_start3A_196 = arith.constant 0 : i32
    %dma_start3A_197 = tpu.memref_slice %arg4[%add3A_185, %dma_start3A_195, %dma_start3A_196] : memref<4096x200x128xf32, #tpu.memory_space<hbm>> -> memref<1x200x64xf32, #tpu.memory_space<hbm>>
    %dma_start3A_198 = tpu.memref_squeeze %dma_start3A_197 : memref<1x200x64xf32, #tpu.memory_space<hbm>> -> memref<200x64xf32, #tpu.memory_space<hbm>>
    %dma_start3A_199 = arith.constant 0 : i32
    %dma_start3A_200 = arith.constant 0 : i32
    %dma_start3A_201 = tpu.memref_slice %arg6[%dma_start3A_186, %dma_start3A_199, %dma_start3A_200] : memref<8x200x64xf32, #tpu.memory_space<vmem>> -> memref<1x200x64xf32, #tpu.memory_space<vmem>>
    %dma_start3A_202 = tpu.memref_squeeze %dma_start3A_201 : memref<1x200x64xf32, #tpu.memory_space<vmem>> -> memref<200x64xf32, #tpu.memory_space<vmem>>
    tpu.enqueue_dma source(%dma_start3A_202 : memref<200x64xf32, #tpu.memory_space<vmem>>) target(%dma_start3A_198 : memref<200x64xf32, #tpu.memory_space<hbm>>) target_semaphore(%arg18 : memref<!tpu.dma_semaphore, #tpu.memory_space<semaphore_mem>>)
    %dma_wait3A_203 = arith.constant 4 : i32
    %dma_wait3A_204 = arith.constant 0 : i32
    %dma_wait3A_205 = arith.constant 0 : i32
    %dma_wait3A_206 = tpu.memref_slice %arg6[%dma_wait3A_203, %dma_wait3A_204, %dma_wait3A_205] : memref<8x200x64xf32, #tpu.memory_space<vmem>> -> memref<1x200x64xf32, #tpu.memory_space<vmem>>
    %dma_wait3A_207 = tpu.memref_squeeze %dma_wait3A_206 : memref<1x200x64xf32, #tpu.memory_space<vmem>> -> memref<200x64xf32, #tpu.memory_space<vmem>>
    %dma_wait3A_208 = arith.constant 0 : i32
    %dma_wait3A_209 = tpu.memref_slice %arg5[%dma_wait3A_208] : memref<25600xi32, #tpu.memory_space<vmem>> -> memref<200xi32, #tpu.memory_space<vmem>>
    %dma_wait3A_210 = arith.constant 0 : i32
    %dma_wait3A_211 = arith.constant 0 : i32
    %dma_wait3A_212 = tpu.memref_slice %arg3[%dma_wait3A_210, %dma_wait3A_211] : memref<2000000x64xf32, #tpu.memory_space<hbm>> -> memref<2000000x64xf32, #tpu.memory_space<hbm>>
    tpu.wait_indirect_dma semaphore(%arg11 : memref<!tpu.dma_semaphore, #tpu.memory_space<semaphore_mem>>) src(%dma_wait3A_212 : memref<2000000x64xf32, #tpu.memory_space<hbm>>) dst(%dma_wait3A_207 : memref<200x64xf32, #tpu.memory_space<vmem>>)
    %add3A_213 = arith.constant 124 : i32
    %add3A_214 = arith.addi %mul3A_4, %add3A_213 : i32
    %dma_start3A_215 = arith.constant 4 : i32
    %dma_start3A_216 = arith.constant 0 : i32
    %dma_start3A_217 = arith.constant 0 : i32
    %dma_start3A_218 = tpu.memref_slice %arg6[%dma_start3A_215, %dma_start3A_216, %dma_start3A_217] : memref<8x200x64xf32, #tpu.memory_space<vmem>> -> memref<1x200x64xf32, #tpu.memory_space<vmem>>
    %dma_start3A_219 = tpu.memref_squeeze %dma_start3A_218 : memref<1x200x64xf32, #tpu.memory_space<vmem>> -> memref<200x64xf32, #tpu.memory_space<vmem>>
    %dma_start3A_220 = arith.constant 0 : i32
    %dma_start3A_221 = arith.constant 0 : i32
    %dma_start3A_222 = tpu.memref_slice %arg4[%add3A_214, %dma_start3A_220, %dma_start3A_221] : memref<4096x200x128xf32, #tpu.memory_space<hbm>> -> memref<1x200x64xf32, #tpu.memory_space<hbm>>
    %dma_start3A_223 = tpu.memref_squeeze %dma_start3A_222 : memref<1x200x64xf32, #tpu.memory_space<hbm>> -> memref<200x64xf32, #tpu.memory_space<hbm>>
    %dma_start3A_224 = arith.constant 0 : i32
    %dma_start3A_225 = arith.constant 0 : i32
    %dma_start3A_226 = tpu.memref_slice %arg4[%add3A_214, %dma_start3A_224, %dma_start3A_225] : memref<4096x200x128xf32, #tpu.memory_space<hbm>> -> memref<1x200x64xf32, #tpu.memory_space<hbm>>
    %dma_start3A_227 = tpu.memref_squeeze %dma_start3A_226 : memref<1x200x64xf32, #tpu.memory_space<hbm>> -> memref<200x64xf32, #tpu.memory_space<hbm>>
    %dma_start3A_228 = arith.constant 0 : i32
    %dma_start3A_229 = arith.constant 0 : i32
    %dma_start3A_230 = tpu.memref_slice %arg6[%dma_start3A_215, %dma_start3A_228, %dma_start3A_229] : memref<8x200x64xf32, #tpu.memory_space<vmem>> -> memref<1x200x64xf32, #tpu.memory_space<vmem>>
    %dma_start3A_231 = tpu.memref_squeeze %dma_start3A_230 : memref<1x200x64xf32, #tpu.memory_space<vmem>> -> memref<200x64xf32, #tpu.memory_space<vmem>>
    tpu.enqueue_dma source(%dma_start3A_231 : memref<200x64xf32, #tpu.memory_space<vmem>>) target(%dma_start3A_227 : memref<200x64xf32, #tpu.memory_space<hbm>>) target_semaphore(%arg19 : memref<!tpu.dma_semaphore, #tpu.memory_space<semaphore_mem>>)
    %dma_wait3A_232 = arith.constant 5 : i32
    %dma_wait3A_233 = arith.constant 0 : i32
    %dma_wait3A_234 = arith.constant 0 : i32
    %dma_wait3A_235 = tpu.memref_slice %arg6[%dma_wait3A_232, %dma_wait3A_233, %dma_wait3A_234] : memref<8x200x64xf32, #tpu.memory_space<vmem>> -> memref<1x200x64xf32, #tpu.memory_space<vmem>>
    %dma_wait3A_236 = tpu.memref_squeeze %dma_wait3A_235 : memref<1x200x64xf32, #tpu.memory_space<vmem>> -> memref<200x64xf32, #tpu.memory_space<vmem>>
    %dma_wait3A_237 = arith.constant 0 : i32
    %dma_wait3A_238 = tpu.memref_slice %arg5[%dma_wait3A_237] : memref<25600xi32, #tpu.memory_space<vmem>> -> memref<200xi32, #tpu.memory_space<vmem>>
    %dma_wait3A_239 = arith.constant 0 : i32
    %dma_wait3A_240 = arith.constant 0 : i32
    %dma_wait3A_241 = tpu.memref_slice %arg3[%dma_wait3A_239, %dma_wait3A_240] : memref<2000000x64xf32, #tpu.memory_space<hbm>> -> memref<2000000x64xf32, #tpu.memory_space<hbm>>
    tpu.wait_indirect_dma semaphore(%arg12 : memref<!tpu.dma_semaphore, #tpu.memory_space<semaphore_mem>>) src(%dma_wait3A_241 : memref<2000000x64xf32, #tpu.memory_space<hbm>>) dst(%dma_wait3A_236 : memref<200x64xf32, #tpu.memory_space<vmem>>)
    %add3A_242 = arith.constant 125 : i32
    %add3A_243 = arith.addi %mul3A_4, %add3A_242 : i32
    %dma_start3A_244 = arith.constant 5 : i32
    %dma_start3A_245 = arith.constant 0 : i32
    %dma_start3A_246 = arith.constant 0 : i32
    %dma_start3A_247 = tpu.memref_slice %arg6[%dma_start3A_244, %dma_start3A_245, %dma_start3A_246] : memref<8x200x64xf32, #tpu.memory_space<vmem>> -> memref<1x200x64xf32, #tpu.memory_space<vmem>>
    %dma_start3A_248 = tpu.memref_squeeze %dma_start3A_247 : memref<1x200x64xf32, #tpu.memory_space<vmem>> -> memref<200x64xf32, #tpu.memory_space<vmem>>
    %dma_start3A_249 = arith.constant 0 : i32
    %dma_start3A_250 = arith.constant 0 : i32
    %dma_start3A_251 = tpu.memref_slice %arg4[%add3A_243, %dma_start3A_249, %dma_start3A_250] : memref<4096x200x128xf32, #tpu.memory_space<hbm>> -> memref<1x200x64xf32, #tpu.memory_space<hbm>>
    %dma_start3A_252 = tpu.memref_squeeze %dma_start3A_251 : memref<1x200x64xf32, #tpu.memory_space<hbm>> -> memref<200x64xf32, #tpu.memory_space<hbm>>
    %dma_start3A_253 = arith.constant 0 : i32
    %dma_start3A_254 = arith.constant 0 : i32
    %dma_start3A_255 = tpu.memref_slice %arg4[%add3A_243, %dma_start3A_253, %dma_start3A_254] : memref<4096x200x128xf32, #tpu.memory_space<hbm>> -> memref<1x200x64xf32, #tpu.memory_space<hbm>>
    %dma_start3A_256 = tpu.memref_squeeze %dma_start3A_255 : memref<1x200x64xf32, #tpu.memory_space<hbm>> -> memref<200x64xf32, #tpu.memory_space<hbm>>
    %dma_start3A_257 = arith.constant 0 : i32
    %dma_start3A_258 = arith.constant 0 : i32
    %dma_start3A_259 = tpu.memref_slice %arg6[%dma_start3A_244, %dma_start3A_257, %dma_start3A_258] : memref<8x200x64xf32, #tpu.memory_space<vmem>> -> memref<1x200x64xf32, #tpu.memory_space<vmem>>
    %dma_start3A_260 = tpu.memref_squeeze %dma_start3A_259 : memref<1x200x64xf32, #tpu.memory_space<vmem>> -> memref<200x64xf32, #tpu.memory_space<vmem>>
    tpu.enqueue_dma source(%dma_start3A_260 : memref<200x64xf32, #tpu.memory_space<vmem>>) target(%dma_start3A_256 : memref<200x64xf32, #tpu.memory_space<hbm>>) target_semaphore(%arg20 : memref<!tpu.dma_semaphore, #tpu.memory_space<semaphore_mem>>)
    %dma_wait3A_261 = arith.constant 6 : i32
    %dma_wait3A_262 = arith.constant 0 : i32
    %dma_wait3A_263 = arith.constant 0 : i32
    %dma_wait3A_264 = tpu.memref_slice %arg6[%dma_wait3A_261, %dma_wait3A_262, %dma_wait3A_263] : memref<8x200x64xf32, #tpu.memory_space<vmem>> -> memref<1x200x64xf32, #tpu.memory_space<vmem>>
    %dma_wait3A_265 = tpu.memref_squeeze %dma_wait3A_264 : memref<1x200x64xf32, #tpu.memory_space<vmem>> -> memref<200x64xf32, #tpu.memory_space<vmem>>
    %dma_wait3A_266 = arith.constant 0 : i32
    %dma_wait3A_267 = tpu.memref_slice %arg5[%dma_wait3A_266] : memref<25600xi32, #tpu.memory_space<vmem>> -> memref<200xi32, #tpu.memory_space<vmem>>
    %dma_wait3A_268 = arith.constant 0 : i32
    %dma_wait3A_269 = arith.constant 0 : i32
    %dma_wait3A_270 = tpu.memref_slice %arg3[%dma_wait3A_268, %dma_wait3A_269] : memref<2000000x64xf32, #tpu.memory_space<hbm>> -> memref<2000000x64xf32, #tpu.memory_space<hbm>>
    tpu.wait_indirect_dma semaphore(%arg13 : memref<!tpu.dma_semaphore, #tpu.memory_space<semaphore_mem>>) src(%dma_wait3A_270 : memref<2000000x64xf32, #tpu.memory_space<hbm>>) dst(%dma_wait3A_265 : memref<200x64xf32, #tpu.memory_space<vmem>>)
    %add3A_271 = arith.constant 126 : i32
    %add3A_272 = arith.addi %mul3A_4, %add3A_271 : i32
    %dma_start3A_273 = arith.constant 6 : i32
    %dma_start3A_274 = arith.constant 0 : i32
    %dma_start3A_275 = arith.constant 0 : i32
    %dma_start3A_276 = tpu.memref_slice %arg6[%dma_start3A_273, %dma_start3A_274, %dma_start3A_275] : memref<8x200x64xf32, #tpu.memory_space<vmem>> -> memref<1x200x64xf32, #tpu.memory_space<vmem>>
    %dma_start3A_277 = tpu.memref_squeeze %dma_start3A_276 : memref<1x200x64xf32, #tpu.memory_space<vmem>> -> memref<200x64xf32, #tpu.memory_space<vmem>>
    %dma_start3A_278 = arith.constant 0 : i32
    %dma_start3A_279 = arith.constant 0 : i32
    %dma_start3A_280 = tpu.memref_slice %arg4[%add3A_272, %dma_start3A_278, %dma_start3A_279] : memref<4096x200x128xf32, #tpu.memory_space<hbm>> -> memref<1x200x64xf32, #tpu.memory_space<hbm>>
    %dma_start3A_281 = tpu.memref_squeeze %dma_start3A_280 : memref<1x200x64xf32, #tpu.memory_space<hbm>> -> memref<200x64xf32, #tpu.memory_space<hbm>>
    %dma_start3A_282 = arith.constant 0 : i32
    %dma_start3A_283 = arith.constant 0 : i32
    %dma_start3A_284 = tpu.memref_slice %arg4[%add3A_272, %dma_start3A_282, %dma_start3A_283] : memref<4096x200x128xf32, #tpu.memory_space<hbm>> -> memref<1x200x64xf32, #tpu.memory_space<hbm>>
    %dma_start3A_285 = tpu.memref_squeeze %dma_start3A_284 : memref<1x200x64xf32, #tpu.memory_space<hbm>> -> memref<200x64xf32, #tpu.memory_space<hbm>>
    %dma_start3A_286 = arith.constant 0 : i32
    %dma_start3A_287 = arith.constant 0 : i32
    %dma_start3A_288 = tpu.memref_slice %arg6[%dma_start3A_273, %dma_start3A_286, %dma_start3A_287] : memref<8x200x64xf32, #tpu.memory_space<vmem>> -> memref<1x200x64xf32, #tpu.memory_space<vmem>>
    %dma_start3A_289 = tpu.memref_squeeze %dma_start3A_288 : memref<1x200x64xf32, #tpu.memory_space<vmem>> -> memref<200x64xf32, #tpu.memory_space<vmem>>
    tpu.enqueue_dma source(%dma_start3A_289 : memref<200x64xf32, #tpu.memory_space<vmem>>) target(%dma_start3A_285 : memref<200x64xf32, #tpu.memory_space<hbm>>) target_semaphore(%arg21 : memref<!tpu.dma_semaphore, #tpu.memory_space<semaphore_mem>>)
    %dma_wait3A_290 = arith.constant 7 : i32
    %dma_wait3A_291 = arith.constant 0 : i32
    %dma_wait3A_292 = arith.constant 0 : i32
    %dma_wait3A_293 = tpu.memref_slice %arg6[%dma_wait3A_290, %dma_wait3A_291, %dma_wait3A_292] : memref<8x200x64xf32, #tpu.memory_space<vmem>> -> memref<1x200x64xf32, #tpu.memory_space<vmem>>
    %dma_wait3A_294 = tpu.memref_squeeze %dma_wait3A_293 : memref<1x200x64xf32, #tpu.memory_space<vmem>> -> memref<200x64xf32, #tpu.memory_space<vmem>>
    %dma_wait3A_295 = arith.constant 0 : i32
    %dma_wait3A_296 = tpu.memref_slice %arg5[%dma_wait3A_295] : memref<25600xi32, #tpu.memory_space<vmem>> -> memref<200xi32, #tpu.memory_space<vmem>>
    %dma_wait3A_297 = arith.constant 0 : i32
    %dma_wait3A_298 = arith.constant 0 : i32
    %dma_wait3A_299 = tpu.memref_slice %arg3[%dma_wait3A_297, %dma_wait3A_298] : memref<2000000x64xf32, #tpu.memory_space<hbm>> -> memref<2000000x64xf32, #tpu.memory_space<hbm>>
    tpu.wait_indirect_dma semaphore(%arg14 : memref<!tpu.dma_semaphore, #tpu.memory_space<semaphore_mem>>) src(%dma_wait3A_299 : memref<2000000x64xf32, #tpu.memory_space<hbm>>) dst(%dma_wait3A_294 : memref<200x64xf32, #tpu.memory_space<vmem>>)
    %add3A_300 = arith.constant 127 : i32
    %add3A_301 = arith.addi %mul3A_4, %add3A_300 : i32
    %dma_start3A_302 = arith.constant 7 : i32
    %dma_start3A_303 = arith.constant 0 : i32
    %dma_start3A_304 = arith.constant 0 : i32
    %dma_start3A_305 = tpu.memref_slice %arg6[%dma_start3A_302, %dma_start3A_303, %dma_start3A_304] : memref<8x200x64xf32, #tpu.memory_space<vmem>> -> memref<1x200x64xf32, #tpu.memory_space<vmem>>
    %dma_start3A_306 = tpu.memref_squeeze %dma_start3A_305 : memref<1x200x64xf32, #tpu.memory_space<vmem>> -> memref<200x64xf32, #tpu.memory_space<vmem>>
    %dma_start3A_307 = arith.constant 0 : i32
    %dma_start3A_308 = arith.constant 0 : i32
    %dma_start3A_309 = tpu.memref_slice %arg4[%add3A_301, %dma_start3A_307, %dma_start3A_308] : memref<4096x200x128xf32, #tpu.memory_space<hbm>> -> memref<1x200x64xf32, #tpu.memory_space<hbm>>
    %dma_start3A_310 = tpu.memref_squeeze %dma_start3A_309 : memref<1x200x64xf32, #tpu.memory_space<hbm>> -> memref<200x64xf32, #tpu.memory_space<hbm>>
    %dma_start3A_311 = arith.constant 0 : i32
    %dma_start3A_312 = arith.constant 0 : i32
    %dma_start3A_313 = tpu.memref_slice %arg4[%add3A_301, %dma_start3A_311, %dma_start3A_312] : memref<4096x200x128xf32, #tpu.memory_space<hbm>> -> memref<1x200x64xf32, #tpu.memory_space<hbm>>
    %dma_start3A_314 = tpu.memref_squeeze %dma_start3A_313 : memref<1x200x64xf32, #tpu.memory_space<hbm>> -> memref<200x64xf32, #tpu.memory_space<hbm>>
    %dma_start3A_315 = arith.constant 0 : i32
    %dma_start3A_316 = arith.constant 0 : i32
    %dma_start3A_317 = tpu.memref_slice %arg6[%dma_start3A_302, %dma_start3A_315, %dma_start3A_316] : memref<8x200x64xf32, #tpu.memory_space<vmem>> -> memref<1x200x64xf32, #tpu.memory_space<vmem>>
    %dma_start3A_318 = tpu.memref_squeeze %dma_start3A_317 : memref<1x200x64xf32, #tpu.memory_space<vmem>> -> memref<200x64xf32, #tpu.memory_space<vmem>>
    tpu.enqueue_dma source(%dma_start3A_318 : memref<200x64xf32, #tpu.memory_space<vmem>>) target(%dma_start3A_314 : memref<200x64xf32, #tpu.memory_space<hbm>>) target_semaphore(%arg22 : memref<!tpu.dma_semaphore, #tpu.memory_space<semaphore_mem>>)
    %dma_wait3A_319 = arith.constant 0 : i32
    %dma_wait3A_320 = arith.constant 0 : i32
    %dma_wait3A_321 = arith.constant 0 : i32
    %dma_wait3A_322 = tpu.memref_slice %arg6[%dma_wait3A_319, %dma_wait3A_320, %dma_wait3A_321] : memref<8x200x64xf32, #tpu.memory_space<vmem>> -> memref<1x200x64xf32, #tpu.memory_space<vmem>>
    %dma_wait3A_323 = tpu.memref_squeeze %dma_wait3A_322 : memref<1x200x64xf32, #tpu.memory_space<vmem>> -> memref<200x64xf32, #tpu.memory_space<vmem>>
    %dma_wait3A_324 = arith.constant 0 : i32
    %dma_wait3A_325 = arith.constant 0 : i32
    %dma_wait3A_326 = tpu.memref_slice %arg4[%mul3A_4, %dma_wait3A_324, %dma_wait3A_325] : memref<4096x200x128xf32, #tpu.memory_space<hbm>> -> memref<1x200x64xf32, #tpu.memory_space<hbm>>
    %dma_wait3A_327 = tpu.memref_squeeze %dma_wait3A_326 : memref<1x200x64xf32, #tpu.memory_space<hbm>> -> memref<200x64xf32, #tpu.memory_space<hbm>>
    %dma_wait3A_328 = arith.constant 0 : i32
    %dma_wait3A_329 = arith.constant 0 : i32
    %dma_wait3A_330 = tpu.memref_slice %arg4[%mul3A_4, %dma_wait3A_328, %dma_wait3A_329] : memref<4096x200x128xf32, #tpu.memory_space<hbm>> -> memref<1x200x64xf32, #tpu.memory_space<hbm>>
    %dma_wait3A_331 = tpu.memref_squeeze %dma_wait3A_330 : memref<1x200x64xf32, #tpu.memory_space<hbm>> -> memref<200x64xf32, #tpu.memory_space<hbm>>
    %dma_wait3A_332 = arith.constant 0 : i32
    %dma_wait3A_333 = arith.constant 0 : i32
    %dma_wait3A_334 = tpu.memref_slice %arg6[%dma_wait3A_319, %dma_wait3A_332, %dma_wait3A_333] : memref<8x200x64xf32, #tpu.memory_space<vmem>> -> memref<1x200x64xf32, #tpu.memory_space<vmem>>
    %dma_wait3A_335 = tpu.memref_squeeze %dma_wait3A_334 : memref<1x200x64xf32, #tpu.memory_space<vmem>> -> memref<200x64xf32, #tpu.memory_space<vmem>>
    tpu.wait_dma2 semaphore(%arg15 : memref<!tpu.dma_semaphore, #tpu.memory_space<semaphore_mem>>) src(%dma_wait3A_335 : memref<200x64xf32, #tpu.memory_space<vmem>>) dst(%dma_wait3A_331 : memref<200x64xf32, #tpu.memory_space<hbm>>)
    %dma_wait3A_336 = arith.constant 1 : i32
    %dma_wait3A_337 = arith.constant 0 : i32
    %dma_wait3A_338 = arith.constant 0 : i32
    %dma_wait3A_339 = tpu.memref_slice %arg6[%dma_wait3A_336, %dma_wait3A_337, %dma_wait3A_338] : memref<8x200x64xf32, #tpu.memory_space<vmem>> -> memref<1x200x64xf32, #tpu.memory_space<vmem>>
    %dma_wait3A_340 = tpu.memref_squeeze %dma_wait3A_339 : memref<1x200x64xf32, #tpu.memory_space<vmem>> -> memref<200x64xf32, #tpu.memory_space<vmem>>
    %dma_wait3A_341 = arith.constant 0 : i32
    %dma_wait3A_342 = arith.constant 0 : i32
    %dma_wait3A_343 = tpu.memref_slice %arg4[%mul3A_4, %dma_wait3A_341, %dma_wait3A_342] : memref<4096x200x128xf32, #tpu.memory_space<hbm>> -> memref<1x200x64xf32, #tpu.memory_space<hbm>>
    %dma_wait3A_344 = tpu.memref_squeeze %dma_wait3A_343 : memref<1x200x64xf32, #tpu.memory_space<hbm>> -> memref<200x64xf32, #tpu.memory_space<hbm>>
    %dma_wait3A_345 = arith.constant 0 : i32
    %dma_wait3A_346 = arith.constant 0 : i32
    %dma_wait3A_347 = tpu.memref_slice %arg4[%mul3A_4, %dma_wait3A_345, %dma_wait3A_346] : memref<4096x200x128xf32, #tpu.memory_space<hbm>> -> memref<1x200x64xf32, #tpu.memory_space<hbm>>
    %dma_wait3A_348 = tpu.memref_squeeze %dma_wait3A_347 : memref<1x200x64xf32, #tpu.memory_space<hbm>> -> memref<200x64xf32, #tpu.memory_space<hbm>>
    %dma_wait3A_349 = arith.constant 0 : i32
    %dma_wait3A_350 = arith.constant 0 : i32
    %dma_wait3A_351 = tpu.memref_slice %arg6[%dma_wait3A_336, %dma_wait3A_349, %dma_wait3A_350] : memref<8x200x64xf32, #tpu.memory_space<vmem>> -> memref<1x200x64xf32, #tpu.memory_space<vmem>>
    %dma_wait3A_352 = tpu.memref_squeeze %dma_wait3A_351 : memref<1x200x64xf32, #tpu.memory_space<vmem>> -> memref<200x64xf32, #tpu.memory_space<vmem>>
    tpu.wait_dma2 semaphore(%arg16 : memref<!tpu.dma_semaphore, #tpu.memory_space<semaphore_mem>>) src(%dma_wait3A_352 : memref<200x64xf32, #tpu.memory_space<vmem>>) dst(%dma_wait3A_348 : memref<200x64xf32, #tpu.memory_space<hbm>>)
    %dma_wait3A_353 = arith.constant 2 : i32
    %dma_wait3A_354 = arith.constant 0 : i32
    %dma_wait3A_355 = arith.constant 0 : i32
    %dma_wait3A_356 = tpu.memref_slice %arg6[%dma_wait3A_353, %dma_wait3A_354, %dma_wait3A_355] : memref<8x200x64xf32, #tpu.memory_space<vmem>> -> memref<1x200x64xf32, #tpu.memory_space<vmem>>
    %dma_wait3A_357 = tpu.memref_squeeze %dma_wait3A_356 : memref<1x200x64xf32, #tpu.memory_space<vmem>> -> memref<200x64xf32, #tpu.memory_space<vmem>>
    %dma_wait3A_358 = arith.constant 0 : i32
    %dma_wait3A_359 = arith.constant 0 : i32
    %dma_wait3A_360 = tpu.memref_slice %arg4[%mul3A_4, %dma_wait3A_358, %dma_wait3A_359] : memref<4096x200x128xf32, #tpu.memory_space<hbm>> -> memref<1x200x64xf32, #tpu.memory_space<hbm>>
    %dma_wait3A_361 = tpu.memref_squeeze %dma_wait3A_360 : memref<1x200x64xf32, #tpu.memory_space<hbm>> -> memref<200x64xf32, #tpu.memory_space<hbm>>
    %dma_wait3A_362 = arith.constant 0 : i32
    %dma_wait3A_363 = arith.constant 0 : i32
    %dma_wait3A_364 = tpu.memref_slice %arg4[%mul3A_4, %dma_wait3A_362, %dma_wait3A_363] : memref<4096x200x128xf32, #tpu.memory_space<hbm>> -> memref<1x200x64xf32, #tpu.memory_space<hbm>>
    %dma_wait3A_365 = tpu.memref_squeeze %dma_wait3A_364 : memref<1x200x64xf32, #tpu.memory_space<hbm>> -> memref<200x64xf32, #tpu.memory_space<hbm>>
    %dma_wait3A_366 = arith.constant 0 : i32
    %dma_wait3A_367 = arith.constant 0 : i32
    %dma_wait3A_368 = tpu.memref_slice %arg6[%dma_wait3A_353, %dma_wait3A_366, %dma_wait3A_367] : memref<8x200x64xf32, #tpu.memory_space<vmem>> -> memref<1x200x64xf32, #tpu.memory_space<vmem>>
    %dma_wait3A_369 = tpu.memref_squeeze %dma_wait3A_368 : memref<1x200x64xf32, #tpu.memory_space<vmem>> -> memref<200x64xf32, #tpu.memory_space<vmem>>
    tpu.wait_dma2 semaphore(%arg17 : memref<!tpu.dma_semaphore, #tpu.memory_space<semaphore_mem>>) src(%dma_wait3A_369 : memref<200x64xf32, #tpu.memory_space<vmem>>) dst(%dma_wait3A_365 : memref<200x64xf32, #tpu.memory_space<hbm>>)
    %dma_wait3A_370 = arith.constant 3 : i32
    %dma_wait3A_371 = arith.constant 0 : i32
    %dma_wait3A_372 = arith.constant 0 : i32
    %dma_wait3A_373 = tpu.memref_slice %arg6[%dma_wait3A_370, %dma_wait3A_371, %dma_wait3A_372] : memref<8x200x64xf32, #tpu.memory_space<vmem>> -> memref<1x200x64xf32, #tpu.memory_space<vmem>>
    %dma_wait3A_374 = tpu.memref_squeeze %dma_wait3A_373 : memref<1x200x64xf32, #tpu.memory_space<vmem>> -> memref<200x64xf32, #tpu.memory_space<vmem>>
    %dma_wait3A_375 = arith.constant 0 : i32
    %dma_wait3A_376 = arith.constant 0 : i32
    %dma_wait3A_377 = tpu.memref_slice %arg4[%mul3A_4, %dma_wait3A_375, %dma_wait3A_376] : memref<4096x200x128xf32, #tpu.memory_space<hbm>> -> memref<1x200x64xf32, #tpu.memory_space<hbm>>
    %dma_wait3A_378 = tpu.memref_squeeze %dma_wait3A_377 : memref<1x200x64xf32, #tpu.memory_space<hbm>> -> memref<200x64xf32, #tpu.memory_space<hbm>>
    %dma_wait3A_379 = arith.constant 0 : i32
    %dma_wait3A_380 = arith.constant 0 : i32
    %dma_wait3A_381 = tpu.memref_slice %arg4[%mul3A_4, %dma_wait3A_379, %dma_wait3A_380] : memref<4096x200x128xf32, #tpu.memory_space<hbm>> -> memref<1x200x64xf32, #tpu.memory_space<hbm>>
    %dma_wait3A_382 = tpu.memref_squeeze %dma_wait3A_381 : memref<1x200x64xf32, #tpu.memory_space<hbm>> -> memref<200x64xf32, #tpu.memory_space<hbm>>
    %dma_wait3A_383 = arith.constant 0 : i32
    %dma_wait3A_384 = arith.constant 0 : i32
    %dma_wait3A_385 = tpu.memref_slice %arg6[%dma_wait3A_370, %dma_wait3A_383, %dma_wait3A_384] : memref<8x200x64xf32, #tpu.memory_space<vmem>> -> memref<1x200x64xf32, #tpu.memory_space<vmem>>
    %dma_wait3A_386 = tpu.memref_squeeze %dma_wait3A_385 : memref<1x200x64xf32, #tpu.memory_space<vmem>> -> memref<200x64xf32, #tpu.memory_space<vmem>>
    tpu.wait_dma2 semaphore(%arg18 : memref<!tpu.dma_semaphore, #tpu.memory_space<semaphore_mem>>) src(%dma_wait3A_386 : memref<200x64xf32, #tpu.memory_space<vmem>>) dst(%dma_wait3A_382 : memref<200x64xf32, #tpu.memory_space<hbm>>)
    %dma_wait3A_387 = arith.constant 4 : i32
    %dma_wait3A_388 = arith.constant 0 : i32
    %dma_wait3A_389 = arith.constant 0 : i32
    %dma_wait3A_390 = tpu.memref_slice %arg6[%dma_wait3A_387, %dma_wait3A_388, %dma_wait3A_389] : memref<8x200x64xf32, #tpu.memory_space<vmem>> -> memref<1x200x64xf32, #tpu.memory_space<vmem>>
    %dma_wait3A_391 = tpu.memref_squeeze %dma_wait3A_390 : memref<1x200x64xf32, #tpu.memory_space<vmem>> -> memref<200x64xf32, #tpu.memory_space<vmem>>
    %dma_wait3A_392 = arith.constant 0 : i32
    %dma_wait3A_393 = arith.constant 0 : i32
    %dma_wait3A_394 = tpu.memref_slice %arg4[%mul3A_4, %dma_wait3A_392, %dma_wait3A_393] : memref<4096x200x128xf32, #tpu.memory_space<hbm>> -> memref<1x200x64xf32, #tpu.memory_space<hbm>>
    %dma_wait3A_395 = tpu.memref_squeeze %dma_wait3A_394 : memref<1x200x64xf32, #tpu.memory_space<hbm>> -> memref<200x64xf32, #tpu.memory_space<hbm>>
    %dma_wait3A_396 = arith.constant 0 : i32
    %dma_wait3A_397 = arith.constant 0 : i32
    %dma_wait3A_398 = tpu.memref_slice %arg4[%mul3A_4, %dma_wait3A_396, %dma_wait3A_397] : memref<4096x200x128xf32, #tpu.memory_space<hbm>> -> memref<1x200x64xf32, #tpu.memory_space<hbm>>
    %dma_wait3A_399 = tpu.memref_squeeze %dma_wait3A_398 : memref<1x200x64xf32, #tpu.memory_space<hbm>> -> memref<200x64xf32, #tpu.memory_space<hbm>>
    %dma_wait3A_400 = arith.constant 0 : i32
    %dma_wait3A_401 = arith.constant 0 : i32
    %dma_wait3A_402 = tpu.memref_slice %arg6[%dma_wait3A_387, %dma_wait3A_400, %dma_wait3A_401] : memref<8x200x64xf32, #tpu.memory_space<vmem>> -> memref<1x200x64xf32, #tpu.memory_space<vmem>>
    %dma_wait3A_403 = tpu.memref_squeeze %dma_wait3A_402 : memref<1x200x64xf32, #tpu.memory_space<vmem>> -> memref<200x64xf32, #tpu.memory_space<vmem>>
    tpu.wait_dma2 semaphore(%arg19 : memref<!tpu.dma_semaphore, #tpu.memory_space<semaphore_mem>>) src(%dma_wait3A_403 : memref<200x64xf32, #tpu.memory_space<vmem>>) dst(%dma_wait3A_399 : memref<200x64xf32, #tpu.memory_space<hbm>>)
    %dma_wait3A_404 = arith.constant 5 : i32
    %dma_wait3A_405 = arith.constant 0 : i32
    %dma_wait3A_406 = arith.constant 0 : i32
    %dma_wait3A_407 = tpu.memref_slice %arg6[%dma_wait3A_404, %dma_wait3A_405, %dma_wait3A_406] : memref<8x200x64xf32, #tpu.memory_space<vmem>> -> memref<1x200x64xf32, #tpu.memory_space<vmem>>
    %dma_wait3A_408 = tpu.memref_squeeze %dma_wait3A_407 : memref<1x200x64xf32, #tpu.memory_space<vmem>> -> memref<200x64xf32, #tpu.memory_space<vmem>>
    %dma_wait3A_409 = arith.constant 0 : i32
    %dma_wait3A_410 = arith.constant 0 : i32
    %dma_wait3A_411 = tpu.memref_slice %arg4[%mul3A_4, %dma_wait3A_409, %dma_wait3A_410] : memref<4096x200x128xf32, #tpu.memory_space<hbm>> -> memref<1x200x64xf32, #tpu.memory_space<hbm>>
    %dma_wait3A_412 = tpu.memref_squeeze %dma_wait3A_411 : memref<1x200x64xf32, #tpu.memory_space<hbm>> -> memref<200x64xf32, #tpu.memory_space<hbm>>
    %dma_wait3A_413 = arith.constant 0 : i32
    %dma_wait3A_414 = arith.constant 0 : i32
    %dma_wait3A_415 = tpu.memref_slice %arg4[%mul3A_4, %dma_wait3A_413, %dma_wait3A_414] : memref<4096x200x128xf32, #tpu.memory_space<hbm>> -> memref<1x200x64xf32, #tpu.memory_space<hbm>>
    %dma_wait3A_416 = tpu.memref_squeeze %dma_wait3A_415 : memref<1x200x64xf32, #tpu.memory_space<hbm>> -> memref<200x64xf32, #tpu.memory_space<hbm>>
    %dma_wait3A_417 = arith.constant 0 : i32
    %dma_wait3A_418 = arith.constant 0 : i32
    %dma_wait3A_419 = tpu.memref_slice %arg6[%dma_wait3A_404, %dma_wait3A_417, %dma_wait3A_418] : memref<8x200x64xf32, #tpu.memory_space<vmem>> -> memref<1x200x64xf32, #tpu.memory_space<vmem>>
    %dma_wait3A_420 = tpu.memref_squeeze %dma_wait3A_419 : memref<1x200x64xf32, #tpu.memory_space<vmem>> -> memref<200x64xf32, #tpu.memory_space<vmem>>
    tpu.wait_dma2 semaphore(%arg20 : memref<!tpu.dma_semaphore, #tpu.memory_space<semaphore_mem>>) src(%dma_wait3A_420 : memref<200x64xf32, #tpu.memory_space<vmem>>) dst(%dma_wait3A_416 : memref<200x64xf32, #tpu.memory_space<hbm>>)
    %dma_wait3A_421 = arith.constant 6 : i32
    %dma_wait3A_422 = arith.constant 0 : i32
    %dma_wait3A_423 = arith.constant 0 : i32
    %dma_wait3A_424 = tpu.memref_slice %arg6[%dma_wait3A_421, %dma_wait3A_422, %dma_wait3A_423] : memref<8x200x64xf32, #tpu.memory_space<vmem>> -> memref<1x200x64xf32, #tpu.memory_space<vmem>>
    %dma_wait3A_425 = tpu.memref_squeeze %dma_wait3A_424 : memref<1x200x64xf32, #tpu.memory_space<vmem>> -> memref<200x64xf32, #tpu.memory_space<vmem>>
    %dma_wait3A_426 = arith.constant 0 : i32
    %dma_wait3A_427 = arith.constant 0 : i32
    %dma_wait3A_428 = tpu.memref_slice %arg4[%mul3A_4, %dma_wait3A_426, %dma_wait3A_427] : memref<4096x200x128xf32, #tpu.memory_space<hbm>> -> memref<1x200x64xf32, #tpu.memory_space<hbm>>
    %dma_wait3A_429 = tpu.memref_squeeze %dma_wait3A_428 : memref<1x200x64xf32, #tpu.memory_space<hbm>> -> memref<200x64xf32, #tpu.memory_space<hbm>>
    %dma_wait3A_430 = arith.constant 0 : i32
    %dma_wait3A_431 = arith.constant 0 : i32
    %dma_wait3A_432 = tpu.memref_slice %arg4[%mul3A_4, %dma_wait3A_430, %dma_wait3A_431] : memref<4096x200x128xf32, #tpu.memory_space<hbm>> -> memref<1x200x64xf32, #tpu.memory_space<hbm>>
    %dma_wait3A_433 = tpu.memref_squeeze %dma_wait3A_432 : memref<1x200x64xf32, #tpu.memory_space<hbm>> -> memref<200x64xf32, #tpu.memory_space<hbm>>
    %dma_wait3A_434 = arith.constant 0 : i32
    %dma_wait3A_435 = arith.constant 0 : i32
    %dma_wait3A_436 = tpu.memref_slice %arg6[%dma_wait3A_421, %dma_wait3A_434, %dma_wait3A_435] : memref<8x200x64xf32, #tpu.memory_space<vmem>> -> memref<1x200x64xf32, #tpu.memory_space<vmem>>
    %dma_wait3A_437 = tpu.memref_squeeze %dma_wait3A_436 : memref<1x200x64xf32, #tpu.memory_space<vmem>> -> memref<200x64xf32, #tpu.memory_space<vmem>>
    tpu.wait_dma2 semaphore(%arg21 : memref<!tpu.dma_semaphore, #tpu.memory_space<semaphore_mem>>) src(%dma_wait3A_437 : memref<200x64xf32, #tpu.memory_space<vmem>>) dst(%dma_wait3A_433 : memref<200x64xf32, #tpu.memory_space<hbm>>)
    %dma_wait3A_438 = arith.constant 7 : i32
    %dma_wait3A_439 = arith.constant 0 : i32
    %dma_wait3A_440 = arith.constant 0 : i32
    %dma_wait3A_441 = tpu.memref_slice %arg6[%dma_wait3A_438, %dma_wait3A_439, %dma_wait3A_440] : memref<8x200x64xf32, #tpu.memory_space<vmem>> -> memref<1x200x64xf32, #tpu.memory_space<vmem>>
    %dma_wait3A_442 = tpu.memref_squeeze %dma_wait3A_441 : memref<1x200x64xf32, #tpu.memory_space<vmem>> -> memref<200x64xf32, #tpu.memory_space<vmem>>
    %dma_wait3A_443 = arith.constant 0 : i32
    %dma_wait3A_444 = arith.constant 0 : i32
    %dma_wait3A_445 = tpu.memref_slice %arg4[%mul3A_4, %dma_wait3A_443, %dma_wait3A_444] : memref<4096x200x128xf32, #tpu.memory_space<hbm>> -> memref<1x200x64xf32, #tpu.memory_space<hbm>>
    %dma_wait3A_446 = tpu.memref_squeeze %dma_wait3A_445 : memref<1x200x64xf32, #tpu.memory_space<hbm>> -> memref<200x64xf32, #tpu.memory_space<hbm>>
    %dma_wait3A_447 = arith.constant 0 : i32
    %dma_wait3A_448 = arith.constant 0 : i32
    %dma_wait3A_449 = tpu.memref_slice %arg4[%mul3A_4, %dma_wait3A_447, %dma_wait3A_448] : memref<4096x200x128xf32, #tpu.memory_space<hbm>> -> memref<1x200x64xf32, #tpu.memory_space<hbm>>
    %dma_wait3A_450 = tpu.memref_squeeze %dma_wait3A_449 : memref<1x200x64xf32, #tpu.memory_space<hbm>> -> memref<200x64xf32, #tpu.memory_space<hbm>>
    %dma_wait3A_451 = arith.constant 0 : i32
    %dma_wait3A_452 = arith.constant 0 : i32
    %dma_wait3A_453 = tpu.memref_slice %arg6[%dma_wait3A_438, %dma_wait3A_451, %dma_wait3A_452] : memref<8x200x64xf32, #tpu.memory_space<vmem>> -> memref<1x200x64xf32, #tpu.memory_space<vmem>>
    %dma_wait3A_454 = tpu.memref_squeeze %dma_wait3A_453 : memref<1x200x64xf32, #tpu.memory_space<vmem>> -> memref<200x64xf32, #tpu.memory_space<vmem>>
    tpu.wait_dma2 semaphore(%arg22 : memref<!tpu.dma_semaphore, #tpu.memory_space<semaphore_mem>>) src(%dma_wait3A_454 : memref<200x64xf32, #tpu.memory_space<vmem>>) dst(%dma_wait3A_450 : memref<200x64xf32, #tpu.memory_space<hbm>>)
    return
  }
}

</mosaic_0001>

<sc_bundles>
// kernel: kernel.3.cloned.1.call-start
scs
__scs_entry_jumppad:
0x0: {  	(pc) =	sbr.rel $0x88, $3  }
0x1: {  	(tag) =	ssettag $0x0;
	lr =	simm.s32 $0x1  }
0x2: {  	[smem:$0x3F9F] =	sst lr;
	_ =	strace $0xD0000000  }
0x3: {  	_ = 	snop  }
0x4: {  	_ = 	snop  }
0x5: {  	_ = 	snop  }
0x6: {  	_ = 	snop  }
0x7: {  	_ = 	snop  }
__scs_overlays_trampoline_lowered:
0x8: {  	[smem:$0x3FAE] =	sst s0  }
0x9: {  	[smem:$0x3FAF] =	sst s1  }
0xa: {  	[smem:$0x3FB0] =	sst s2  }
0xb: {  	[smem:$0x3FB1] =	sst s3  }
0xc: {  	[smem:$0x3FB2] =	sst s4  }
0xd: {  	[smem:$0x3FB3] =	sst s5  }
0xe: {  	[smem:$0x3FB4] =	sst s6  }
0xf: {  	[smem:$0x3FB5] =	sst s7  }
0x10: {  	[smem:$0x3FB6] =	sst s8  }
0x11: {  	[smem:$0x3FB7] =	sst s9;
	s0 =	simm.s32 @!p0 $0x0  }
0x12: {  	s1 =	sld [smem:$0x3F9D];
	s0 =	simm.s32 @p0 $0x1  }
0x13: {  	[smem:$0x3FB8] =	sst s0;
	s0 =	simm.s32 @!p1 $0x0  }
0x14: {  	s2 =	sld [smem:$0x3F9C];
	s0 =	simm.s32 @p1 $0x1  }
0x15: {  	[smem:$0x3FB9] =	sst s0;
	s0 =	simm.s32 @!p2 $0x0  }
0x16: {  	s3 =	sld [smem:$0x3FDB];
	s0 =	simm.s32 @p2 $0x1  }
0x17: {  	s4 =	simm.s32 $0x1BF5;
	[smem:$0x3FBB] =	sst s0  }
0x18: {  	s0 =	sld [smem:$0x3F9E];
	_ =	swait.ge [sflag:s4], $0x0  }
0x19: {  	s7 =	sld [smem:$0x3F9F]  }
0x1a: {  	s8 =	sadd.s32 $0xFFFFE003, lr  }
0x1b: {  	s9 =	sadd.s32 $0xFFFFFEF7, lr;
	s5 =	simm.s32 $0xFFFFFFFF;
	p2 =	slt.u32 s8, $0xFFFFF086  }
0x1c: {  	p1 =	slt.u32 s9, $0xF7A;
	s5 =	simm.s32 @!p2 $0x0  }
0x1d: {  	s5 =	simm.s32 @p1 $0x1;
	p0 =	seq.s32 s7, s2  }
0x1e: {  	s7 =	smul.u32 @!p0 $0xF7A, s2;
	p2 =	seq.s32 @!p0 s5, $0x0  }
0x1f: {  	s9 =	smul.u32 $0xF7A, s1;
	s8 =	simm.s32 @!p0 $0x1BF5;
	p2 =	por !p2, p0  }
0x20: {  	[sflag:s8] =	ssyncset.s32 @!p0 $0xFFFFF086;
	s6 =	sadd.s32 @!p0 s3, s7;
	s7 =	simm.s32 @!p0 $0x108  }
0x21: {  	s3 =	sadd.s32 s3, s9;
	s6 =	sadd.s32 @!p0 $0x88, s6;
	s7 =	simm.s32 @p2 $0x1082  }
0x22: {  	[simem:s7], [sflag:s8] =	dma.local @!p0 [hbm:s6], $0xF7A  }
0x23: {  	s9 =	sor.u32 $0xD0000000, s2;
	s6 =	simm.s32 $0x108;
	_ =	swait.ge @!p0 [sflag:s8], $0x0  }
0x24: {  	s3 =	sadd.s32 $0x88, s3;
	s6 =	simm.s32 @!p1 $0x1082;
	[sflag:s4] =	ssyncset.s32 $0xFFFFF086  }
0x25: {  	[simem:s6], [sflag:s4] =	dma.local [hbm:s3], $0xF7A  }
0x26: {  	[smem:$0x3F9F] =	sst s1;
	(tag) =	ssettag s2;
	_ =	strace s9  }
0x27: {  	s1 =	sld [smem:$0x3FAF]  }
0x28: {  	s2 =	sld [smem:$0x3FB0]  }
0x29: {  	s4 =	sld [smem:$0x3FB2]  }
0x2a: {  	p0 =	seq.s32 s5, $0x0;
	s5 =	sld [smem:$0x3FB3]  }
0x2b: {  	s6 =	sld [smem:$0x3FB4]  }
0x2c: {  	s7 =	sld [smem:$0x3FB5]  }
0x2d: {  	s3 =	simm.s32 $0x108;
	s8 =	sld [smem:$0x3FB6]  }
0x2e: {  	s3 =	simm.s32 @!p0 $0x1082;
	s9 =	sld [smem:$0x3FB7]  }
0x2f: {  	lr =	sadd.s32 s0, s3;
	s0 =	sld [smem:$0x3FAE]  }
0x30: {  	s3 =	sld [smem:$0x3FB1]  }
0x31: {  	[smem:$0x3FBA] =	sst s10  }
0x32: {  	s10 =	sld [smem:$0x3FB8];
	_ =	sdelay $0x3  }
0x33: {  	p0 =	seq.s32 s10, $0x1;
	s10 =	sld [smem:$0x3FBA];
	_ =	sdelay $0x3  }
0x34: {  	[smem:$0x3FBA] =	sst s10  }
0x35: {  	s10 =	sld [smem:$0x3FB9];
	_ =	sdelay $0x3  }
0x36: {  	p1 =	seq.s32 s10, $0x1;
	s10 =	sld [smem:$0x3FBA];
	_ =	sdelay $0x3  }
0x37: {  	[smem:$0x3FBA] =	sst s10  }
0x38: {  	s10 =	sld [smem:$0x3FBB]  }
0x39: {  	_ = 	snop;
	(pc) =	sbr.ind lr, $3  }
0x3a: {  	_ = 	snop  }
0x3b: {  	_ = 	snop  }
0x3c: {  	p2 =	seq.s32 s10, $0x1;
	s10 =	sld [smem:$0x3FBA]  }
0x3d: {  	_ =	shalt  }
0x3e: {  	_ =	shalt  }
0x3f: {  	_ =	shalt  }
0x40: {  	_ =	shalt  }
0x41: {  	_ =	shalt  }
0x42: {  	_ =	shalt  }
0x43: {  	_ =	shalt  }
0x44: {  	_ =	shalt  }
0x45: {  	_ =	shalt  }
0x46: {  	_ =	shalt  }
0x47: {  	_ =	shalt  }
0x48: {  	_ =	shalt  }
0x49: {  	_ =	shalt  }
0x4a: {  	_ =	shalt  }
0x4b: {  	_ =	shalt  }
0x4c: {  	_ =	shalt  }
0x4d: {  	_ =	shalt  }
0x4e: {  	_ =	shalt  }
0x4f: {  	_ =	shalt  }
0x50: {  	_ =	shalt  }
0x51: {  	_ =	shalt  }
0x52: {  	_ =	shalt  }
0x53: {  	_ =	shalt  }
0x54: {  	_ =	shalt  }
0x55: {  	_ =	shalt  }
0x56: {  	_ =	shalt  }
0x57: {  	_ =	shalt  }
0x58: {  	_ =	shalt  }
0x59: {  	_ =	shalt  }
0x5a: {  	_ =	shalt  }
0x5b: {  	_ =	shalt  }
0x5c: {  	_ =	shalt  }
0x5d: {  	_ =	shalt  }
0x5e: {  	_ =	shalt  }
0x5f: {  	_ =	shalt  }
0x60: {  	_ =	shalt  }
0x61: {  	_ =	shalt  }
0x62: {  	_ =	shalt  }
0x63: {  	_ =	shalt  }
0x64: {  	_ =	shalt  }
0x65: {  	_ =	shalt  }
0x66: {  	_ =	shalt  }
0x67: {  	_ =	shalt  }
0x68: {  	_ =	shalt  }
0x69: {  	_ =	shalt  }
0x6a: {  	_ =	shalt  }
0x6b: {  	_ =	shalt  }
0x6c: {  	_ =	shalt  }
0x6d: {  	_ =	shalt  }
0x6e: {  	_ =	shalt  }
0x6f: {  	_ =	shalt  }
0x70: {  	_ =	shalt  }
0x71: {  	_ =	shalt  }
0x72: {  	_ =	shalt  }
0x73: {  	_ =	shalt  }
0x74: {  	_ =	shalt  }
0x75: {  	_ =	shalt  }
0x76: {  	_ =	shalt  }
0x77: {  	_ =	shalt  }
0x78: {  	_ =	shalt  }
0x79: {  	_ =	shalt  }
0x7a: {  	_ =	shalt  }
0x7b: {  	_ =	shalt  }
0x7c: {  	_ =	shalt  }
0x7d: {  	_ =	shalt  }
0x7e: {  	_ =	shalt  }
0x7f: {  	_ =	shalt  }
0x80: {  	_ =	shalt  }
0x81: {  	_ =	shalt  }
0x82: {  	_ =	shalt  }
0x83: {  	_ =	shalt  }
0x84: {  	_ =	shalt  }
0x85: {  	_ =	shalt  }
0x86: {  	_ =	shalt  }
0x87: {  	_ =	shalt  }
.Lfunc_end0:
.L_simem_size_0:
called_computation.2_lowered:
.L_overlay_start_0:
0x88: {  	s2 =	sld [smem:$0x3FD9]  }
0x89: {  	s3 =	sld [smem:$0x3FFE];
	_ =	sdelay $0x1  }
0x8a: {  	s1 =	srdreg.scid  }
0x8b: {  	s0 =	sand.u32 $0x1, s1  }
0x8c: {  	s17 =	sshll.u32 s0, $0xA;
	s2 =	sadd.s32 s3, s2  }
0x8d: {  	s2 =	sadd.s32 s2, s17  }
0x8e: {  	[smem:$0x3FC6] =	sst s2  }
0x8f: {  	_ = 	snop  }
0x90: {  	s2 =	sld [smem:$0x3FD0];
	(tm) =	ssettm $0x1  }
0x91: {  	s18 =	sld [smem:$0x3FFB];
	_ =	sdelay $0x3  }
0x92: {  	_ =	strace s18  }
0x93: {  	s3 =	sld [smem:$0x3FFC];
	_ =	sdelay $0x3  }
0x94: {  	_ =	strace s3  }
0x95: {  	s3 =	sld [smem:$0x3FFD];
	_ =	sdelay $0x3  }
0x96: {  	_ =	strace s3  }
0x97: {  	_ =	strace $0x8FFFFFFF  }
0x98: {  	s19 =	sld [smem:$0x3FDB];
	_ =	sdelay $0x1  }
0x99: {  	s4 =	simm.s32 $_scs_section_size  }
0x9a: {  	s5 =	simm.s32 $_size__tile_overlayer_lowered;
	s6 =	simm.s32 $_tile_overlayer_lowered  }
0x9b: {  	s22 =	simm.s32 $0x1BFF;
	s21 =	sshll.u32 s6, $0x1;
	s3 =	sadd.s32 s4, s19  }
0x9c: {  	s7 =	simm.s32 $0x0;
	s20 =	sshll.u32 s5, $0x1;
	s5 =	sadd.s32 s21, s3  }
0x9d: {  	[timem:s7], [sflag:s22] =	dma.local [hbm:s5], s20  }
0x9e: {  	_ =	swait.ge [sflag:s22], s20  }
0x9f: {  	s4 =	ssub.s32 $0x0, s20;
	[sflag:s22] =	ssyncset.done $0x0  }
0xa0: {  	[sflag:s22] =	ssyncadd.s32 s4;
	_ =	sdelay $0x1  }
0xa1: {  	s23 =	simm.s32 $0x1B8B  }
0xa2: {  	_ =	swait.ge [sflag:s23], $0x1  }
0xa3: {  	[sflag:s23] =	ssyncset.done $0x0  }
0xa4: {  	s25 =	simm.s32 $0x1B8E;
	s24 =	sld [smem:$0x3FFE];
	[sflag:s23] =	ssyncadd.s32 $0xFFFFFFFF  }
0xa5: {  	s26 =	simm.s32 $execute0_lowered;
	[smem:$0x3FD2] =	sst s25  }
0xa6: {  	s5 =	sshll.u32 s26, $0x1;
	_ =	strace $0x80000049;
	[dreg:$0x1] =	wrdreg $0xFFFFFFFF  }
0xa7: {  	s28 =	simm.s32 $_size_execute0_lowered;
	s3 =	sadd.s32 s3, s5;
	[dreg:$0x0] =	wrdreg $0x0  }
0xa8: {  	s5 =	sshll.u32 s28, $0x1;
	[dreg:$0x2] =	wrdreg s3  }
0xa9: {  	[dreg:$0x3] =	wrdreg s5  }
0xaa: {  	[dreg:$0x4] =	wrdreg $0xC0  }
0xab: {  	_ =	task [dreg:s7], $0x5FFFF  }
0xac: {  	[dreg:$0x1] =	wrdreg $0xFFFFFFFF  }
0xad: {  	[dreg:$0x0] =	wrdreg $0x60  }
0xae: {  	[dreg:$0x2] =	wrdreg s2  }
0xaf: {  	[dreg:$0x3] =	wrdreg s24  }
0xb0: {  	[dreg:$0x4] =	wrdreg $0x9  }
0xb1: {  	_ =	task.clear_ibuf [dreg:s7], $0x5FFFF;
	_ =	strace $0x90000049  }
0xb2: {  	s29 =	simm.s32 $0x9;
	_ =	strace $0x8000004B  }
0xb3: {  	_ =	swait.ge [sflag:s29], $0x1  }
0xb4: {  	[sflag:s29] =	ssyncadd.s32 $0xFFFFFFFF  }
0xb5: {  	_ =	strace $0x9000004B  }
0xb6: {  	_ =	sfence  }
0xb7: {  	s30 =	sld [smem:$0x0];
	_ =	sdelay $0x2  }
0xb8: {  	s31 =	sshll.u32 s1, $0xD;
	s1 =	sshrl.u32 s1, $0x2  }
0xb9: {  	s3 =	sand.u32 $0x4000, s31;
	s1 =	sadd.s32 s1, s30  }
0xba: {  	s0 =	sor.u32 s3, s0;
	s1 =	sshll.u32 s1, $0x11  }
0xbb: {  	s0 =	sor.u32 s1, s0  }
0xbc: {  	s0 =	sadd.s32 $0x8F2B, s0  }
0xbd: {  	[sflag:s0] =	ssyncadd.remote.s32 $0x1  }
0xbe: {  	_ =	sfence.sel $0xFFFF  }
0xbf: {  	[dreg:$0x0] =	wrdreg $0xFFFFFFFF;
	(pc) =	sbr.abs _section_cstart, $3  }
0xc0: {  	[dreg:$0x1] =	wrdreg $0xFFFFFFFF  }
0xc1: {  	_ =	task.clear_ibuf [dreg:s7], $0x2FFFF;
	_ =	strace $0x9FFFFFFF  }
0xc2: {  	(tm) =	ssettm $0x7FFFFFFF  }
0xc3: {  	_ =	shalt  }
tec
execute0_lowered:
.L_overlay_start_1:
0x0: {  	(tag) =	ssettag $0x1  }
0x1: {  	s0 =	rddreg [dreg:$0x0]  }
0x2: {  	s1 =	rddreg [dreg:$0x1];
	s2 =	srdreg.scid  }
0x3: {  	s8 =	stileid.u32;
	s4 =	simm.s32 $0x0;
	s16 =	simm.s32 $0xC8  }
0x4: {  	s28 =	simm.s32 $0x5;
	s30 =	simm.s32 $0x6;
	s9 =	simm.s32 $0xD  }
0x5: {  	s10 =	simm.s32 $0xE;
	s2 =	sand.u32 $0x1, s2;
	s3 =	sshll.u32 s8, $0x1  }
0x6: {  	s11 =	simm.s32 $0xF;
	s25 =	smul.u32 $0xC8000, s8;
	s18 =	sor.u32 s2, s3  }
0x7: {  	s12 =	simm.s32 $0x10;
	[smem:$0x7FF] =	sst s4;
	s5 =	smul.u32 $0x320000, s18  }
0x8: {  	_ =	strace $0x8000004A;
	s6 =	ssub.s32 $0x2, s2;
	s4 =	smul.u32 $0xC80, s18  }
0x9: {  	s3 =	sadd.s32 $0xF43200, s1;
	s1 =	sadd.s32 $0xE00, s1;
	s7 =	sshrl.u32 s6, $0x1  }
0xa: {  	s6 =	ssub.s32 s6, s7;
	s5 =	sshrl.u32 s5, $0x3;
	s0 =	sadd.s32 s0, s4  }
0xb: {  	s29 =	smax.u32 s6, $0x1;
	[dreg:$0x3] =	wrdreg s0;
	s19 =	sadd.s32 s1, s5  }
0xc: {  	s8 =	simm.s32 $0xC;
	[dreg:$0xc] =	wrdreg s29;
	s20 =	sadd.s32 $0x5DC00, s19  }
0xd: {  	s2 =	smul.u32 $0x64000, s2;
	s21 =	sadd.s32 $0x5E880, s19;
	[dreg:$0x4] =	wrdreg s20  }
0xe: {  	s31 =	sadd.s32 s25, s1;
	s22 =	sadd.s32 $0x5F500, s19;
	[dreg:$0x5] =	wrdreg s21  }
0xf: {  	s25 =	simm.s32 $0x4;
	s23 =	sadd.s32 $0x60180, s19;
	[dreg:$0x6] =	wrdreg s22  }
0x10: {  	s7 =	simm.s32 $0xB;
	s24 =	sadd.s32 $0x60E00, s19;
	[dreg:$0x7] =	wrdreg s23  }
0x11: {  	s4 =	simm.s32 $0x8;
	s5 =	sadd.s32 $0x61A80, s19;
	[dreg:$0x8] =	wrdreg s24  }
0x12: {  	s6 =	simm.s32 $0xA;
	s26 =	sadd.s32 $0x62700, s19;
	[dreg:$0x9] =	wrdreg s5  }
0x13: {  	s1 =	simm.s32 $0x40;
	s0 =	sadd.s32 $0x63380, s19;
	[dreg:$0xa] =	wrdreg s26  }
0x14: {  	s19 =	simm.s32 $0x80;
	[dreg:$0xb] =	wrdreg s0;
	s0 =	sadd.s32 s2, s31  }
0x15: {  	s21 =	simm.s32 $0x2;
	s23 =	simm.s32 $0x3;
	s2 =	simm.s32 $0x7  }
0x16: {  	s5 =	simm.s32 $0x9;
	[dreg:$0xd] =	wrdreg s0;
	s0 =	simm.s32 $0x0  }
.LBB2_1:
0x17: {  	[dreg:$0xe] =	wrdreg s0  }
0x18: {  	s13 =	simm.s32 $0x0;
	s14 =	rddreg [dreg:$0x3];
	s22 =	simm.s32 $0x11  }
0x19: {  	[tilespmem:s13], [sflag:$0x11] =	stream.linear.gather [hbm4b:s14+s13], $0x6400, $0x38;
	[tilespmem:$0x1F400] =	vst v63  }
0x1a: {  	_ =	swait.ge [sflag:s22], $0x6400  }
0x1b: {  	[sflag:s22] =	ssyncset.done $0x0  }
0x1c: {  	s14 =	simm.s32 $0x6400;
	[sflag:s22] =	ssyncadd.s32 $0xFFFF9C00  }
0x1d: {  	[tilespmem:s14], [sflag:$0x1] =	stream.indirect.gather [hbm4b:s3+s16], $0x40, s13, s16, $0xb8;
	[tilespmem:$0x1F400] =	vst v63  }
0x1e: {  	s15 =	simm.s32 $0x9600  }
0x1f: {  	[tilespmem:s15], [sflag:$0x2] =	stream.indirect.gather [hbm4b:s3+s16], $0x40, s16, s16, $0xb8;
	[tilespmem:$0x1F400] =	vst v63  }
0x20: {  	s24 =	simm.s32 $0x190;
	s18 =	simm.s32 $0xC800  }
0x21: {  	[tilespmem:s18], [sflag:$0x3] =	stream.indirect.gather [hbm4b:s3+s16], $0x40, s24, s16, $0xb8;
	[tilespmem:$0x1F400] =	vst v63  }
0x22: {  	s26 =	simm.s32 $0x258;
	s20 =	simm.s32 $0xFA00  }
0x23: {  	[tilespmem:s20], [sflag:$0x4] =	stream.indirect.gather [hbm4b:s3+s16], $0x40, s26, s16, $0xb8;
	[tilespmem:$0x1F400] =	vst v63  }
0x24: {  	s29 =	simm.s32 $0x320;
	s22 =	simm.s32 $0x12C00  }
0x25: {  	[tilespmem:s22], [sflag:$0x5] =	stream.indirect.gather [hbm4b:s3+s16], $0x40, s29, s16, $0xb8;
	[tilespmem:$0x1F400] =	vst v63  }
0x26: {  	s31 =	simm.s32 $0x3E8;
	s24 =	simm.s32 $0x15E00  }
0x27: {  	[tilespmem:s24], [sflag:$0x6] =	stream.indirect.gather [hbm4b:s3+s16], $0x40, s31, s16, $0xb8;
	[tilespmem:$0x1F400] =	vst v63  }
0x28: {  	s0 =	simm.s32 $0x4B0;
	s26 =	simm.s32 $0x19000  }
0x29: {  	[tilespmem:s26], [sflag:$0x7] =	stream.indirect.gather [hbm4b:s3+s16], $0x40, s0, s16, $0xb8;
	[tilespmem:$0x1F400] =	vst v63  }
0x2a: {  	s17 =	simm.s32 $0x1;
	s13 =	simm.s32 $0x578;
	s29 =	simm.s32 $0x1C200  }
0x2b: {  	[tilespmem:s29], [sflag:$0x8] =	stream.indirect.gather [hbm4b:s3+s16], $0x40, s13, s16, $0xb8;
	[tilespmem:$0x1F400] =	vst v63  }
0x2c: {  	_ =	swait.ge [sflag:s17], $0x3200  }
0x2d: {  	[sflag:s17] =	ssyncset.done $0x0  }
0x2e: {  	[sflag:s17] =	ssyncadd.s32 $0xFFFFCE00;
	s17 =	rddreg [dreg:$0xd]  }
0x2f: {  	[hbm4b:s17+s1] =	stream.strided.scatter [tilespmem:s14], [sflag:$0x9], $0x3200, s19, s1, $0x38;
	[tilespmem:$0x1F400] =	vst v63  }
0x30: {  	_ =	swait.ge [sflag:s21], $0x3200  }
0x31: {  	[sflag:s21] =	ssyncset.done $0x0  }
0x32: {  	s31 =	sadd.s32 $0xC80, s17;
	[sflag:s21] =	ssyncadd.s32 $0xFFFFCE00  }
0x33: {  	[hbm4b:s31+s1] =	stream.strided.scatter [tilespmem:s15], [sflag:$0xA], $0x3200, s19, s1, $0x38;
	[tilespmem:$0x1F400] =	vst v63  }
0x34: {  	_ =	swait.ge [sflag:s23], $0x3200  }
0x35: {  	[sflag:s23] =	ssyncset.done $0x0  }
0x36: {  	s0 =	sadd.s32 $0x1900, s17;
	[sflag:s23] =	ssyncadd.s32 $0xFFFFCE00  }
0x37: {  	[hbm4b:s0+s1] =	stream.strided.scatter [tilespmem:s18], [sflag:$0xB], $0x3200, s19, s1, $0x38;
	[tilespmem:$0x1F400] =	vst v63  }
0x38: {  	_ =	swait.ge [sflag:s25], $0x3200  }
0x39: {  	[sflag:s25] =	ssyncset.done $0x0  }
0x3a: {  	s31 =	sadd.s32 $0x2580, s17;
	[sflag:s25] =	ssyncadd.s32 $0xFFFFCE00  }
0x3b: {  	[hbm4b:s31+s1] =	stream.strided.scatter [tilespmem:s20], [sflag:$0xC], $0x3200, s19, s1, $0x38;
	[tilespmem:$0x1F400] =	vst v63  }
0x3c: {  	_ =	swait.ge [sflag:s28], $0x3200  }
0x3d: {  	[sflag:s28] =	ssyncset.done $0x0  }
0x3e: {  	s0 =	sadd.s32 $0x3200, s17;
	[sflag:s28] =	ssyncadd.s32 $0xFFFFCE00  }
0x3f: {  	[hbm4b:s0+s1] =	stream.strided.scatter [tilespmem:s22], [sflag:$0xD], $0x3200, s19, s1, $0x38;
	[tilespmem:$0x1F400] =	vst v63  }
0x40: {  	_ =	swait.ge [sflag:s30], $0x3200  }
0x41: {  	[sflag:s30] =	ssyncset.done $0x0  }
0x42: {  	s31 =	sadd.s32 $0x3E80, s17;
	[sflag:s30] =	ssyncadd.s32 $0xFFFFCE00  }
0x43: {  	[hbm4b:s31+s1] =	stream.strided.scatter [tilespmem:s24], [sflag:$0xE], $0x3200, s19, s1, $0x38;
	[tilespmem:$0x1F400] =	vst v63  }
0x44: {  	_ =	swait.ge [sflag:s2], $0x3200  }
0x45: {  	[sflag:s2] =	ssyncset.done $0x0  }
0x46: {  	s0 =	sadd.s32 $0x4B00, s17;
	[sflag:s2] =	ssyncadd.s32 $0xFFFFCE00  }
0x47: {  	[hbm4b:s0+s1] =	stream.strided.scatter [tilespmem:s26], [sflag:$0xF], $0x3200, s19, s1, $0x38;
	[tilespmem:$0x1F400] =	vst v63  }
0x48: {  	_ =	swait.ge [sflag:s4], $0x3200  }
0x49: {  	[sflag:s4] =	ssyncset.done $0x0  }
0x4a: {  	s31 =	sadd.s32 $0x5780, s17;
	[sflag:s4] =	ssyncadd.s32 $0xFFFFCE00  }
0x4b: {  	[hbm4b:s31+s1] =	stream.strided.scatter [tilespmem:s29], [sflag:$0x10], $0x3200, s19, s1, $0x38;
	[tilespmem:$0x1F400] =	vst v63  }
0x4c: {  	_ =	swait.ge [sflag:s5], $0x3200  }
0x4d: {  	[sflag:s5] =	ssyncset.done $0x0  }
0x4e: {  	s0 =	simm.s32 $0x640;
	[sflag:s5] =	ssyncadd.s32 $0xFFFFCE00  }
0x4f: {  	[tilespmem:s14], [sflag:$0x1] =	stream.indirect.gather [hbm4b:s3+s16], $0x40, s0, s16, $0xb8;
	[tilespmem:$0x1F400] =	vst v63  }
0x50: {  	_ =	swait.ge [sflag:s6], $0x3200  }
0x51: {  	[sflag:s6] =	ssyncset.done $0x0  }
0x52: {  	s14 =	simm.s32 $0x708;
	[sflag:s6] =	ssyncadd.s32 $0xFFFFCE00  }
0x53: {  	[tilespmem:s15], [sflag:$0x2] =	stream.indirect.gather [hbm4b:s3+s16], $0x40, s14, s16, $0xb8;
	[tilespmem:$0x1F400] =	vst v63  }
0x54: {  	_ =	swait.ge [sflag:s7], $0x3200  }
0x55: {  	[sflag:s7] =	ssyncset.done $0x0  }
0x56: {  	s15 =	simm.s32 $0x7D0;
	[sflag:s7] =	ssyncadd.s32 $0xFFFFCE00  }
0x57: {  	[tilespmem:s18], [sflag:$0x3] =	stream.indirect.gather [hbm4b:s3+s16], $0x40, s15, s16, $0xb8;
	[tilespmem:$0x1F400] =	vst v63  }
0x58: {  	_ =	swait.ge [sflag:s8], $0x3200  }
0x59: {  	[sflag:s8] =	ssyncset.done $0x0  }
0x5a: {  	s18 =	simm.s32 $0x898;
	[sflag:s8] =	ssyncadd.s32 $0xFFFFCE00  }
0x5b: {  	[tilespmem:s20], [sflag:$0x4] =	stream.indirect.gather [hbm4b:s3+s16], $0x40, s18, s16, $0xb8;
	[tilespmem:$0x1F400] =	vst v63  }
0x5c: {  	_ =	swait.ge [sflag:s9], $0x3200  }
0x5d: {  	[sflag:s9] =	ssyncset.done $0x0  }
0x5e: {  	s20 =	simm.s32 $0x960;
	[sflag:s9] =	ssyncadd.s32 $0xFFFFCE00  }
0x5f: {  	[tilespmem:s22], [sflag:$0x5] =	stream.indirect.gather [hbm4b:s3+s16], $0x40, s20, s16, $0xb8;
	[tilespmem:$0x1F400] =	vst v63  }
0x60: {  	_ =	swait.ge [sflag:s10], $0x3200  }
0x61: {  	[sflag:s10] =	ssyncset.done $0x0  }
0x62: {  	s29 =	simm.s32 $0xA28;
	[sflag:s10] =	ssyncadd.s32 $0xFFFFCE00  }
0x63: {  	[tilespmem:s24], [sflag:$0x6] =	stream.indirect.gather [hbm4b:s3+s16], $0x40, s29, s16, $0xb8;
	[tilespmem:$0x1F400] =	vst v63  }
0x64: {  	_ =	swait.ge [sflag:s11], $0x3200  }
0x65: {  	[sflag:s11] =	ssyncset.done $0x0  }
0x66: {  	s31 =	simm.s32 $0xAF0;
	[sflag:s11] =	ssyncadd.s32 $0xFFFFCE00  }
0x67: {  	[tilespmem:s26], [sflag:$0x7] =	stream.indirect.gather [hbm4b:s3+s16], $0x40, s31, s16, $0xb8;
	[tilespmem:$0x1F400] =	vst v63  }
0x68: {  	_ =	swait.ge [sflag:s12], $0x3200  }
0x69: {  	s13 =	sadd.s32 $0x6400, s17;
	[sflag:s12] =	ssyncset.done $0x0  }
0x6a: {  	s14 =	simm.s32 $0xBB8;
	s15 =	simm.s32 $0x1900;
	[sflag:s12] =	ssyncadd.s32 $0xFFFFCE00  }
.LBB2_2:
0x6b: {  	s20 =	simm.s32 $0x1C200  }
0x6c: {  	[tilespmem:s20], [sflag:$0x8] =	stream.indirect.gather [hbm4b:s3+s16], $0x40, s14, s16, $0xb8;
	[tilespmem:$0x1F400] =	vst v63  }
0x6d: {  	s0 =	simm.s32 $0x1;
	s14 =	smov.u32 s15  }
0x6e: {  	p0 =	sne.s32 s15, $0x15E00;
	s15 =	sadd.s32 $0x1900, s15;
	_ =	swait.ge [sflag:s0], $0x3200  }
0x6f: {  	[sflag:s0] =	ssyncset.done $0x0  }
0x70: {  	s18 =	simm.s32 $0x6400;
	[sflag:s0] =	ssyncadd.s32 $0xFFFFCE00  }
0x71: {  	[hbm4b:s13+s1] =	stream.strided.scatter [tilespmem:s18], [sflag:$0x9], $0x3200, s19, s1, $0x38;
	[tilespmem:$0x1F400] =	vst v63  }
0x72: {  	_ =	swait.ge [sflag:s21], $0x3200  }
0x73: {  	[sflag:s21] =	ssyncset.done $0x0  }
0x74: {  	s17 =	sadd.s32 $0xC80, s13;
	s22 =	simm.s32 $0x9600;
	[sflag:s21] =	ssyncadd.s32 $0xFFFFCE00  }
0x75: {  	[hbm4b:s17+s1] =	stream.strided.scatter [tilespmem:s22], [sflag:$0xA], $0x3200, s19, s1, $0x38;
	[tilespmem:$0x1F400] =	vst v63  }
0x76: {  	_ =	swait.ge [sflag:s23], $0x3200  }
0x77: {  	[sflag:s23] =	ssyncset.done $0x0  }
0x78: {  	s24 =	simm.s32 $0xC800;
	s17 =	sadd.s32 $0x1900, s13;
	[sflag:s23] =	ssyncadd.s32 $0xFFFFCE00  }
0x79: {  	[hbm4b:s17+s1] =	stream.strided.scatter [tilespmem:s24], [sflag:$0xB], $0x3200, s19, s1, $0x38;
	[tilespmem:$0x1F400] =	vst v63  }
0x7a: {  	_ =	swait.ge [sflag:s25], $0x3200  }
0x7b: {  	[sflag:s25] =	ssyncset.done $0x0  }
0x7c: {  	s26 =	simm.s32 $0xFA00;
	s17 =	sadd.s32 $0x2580, s13;
	[sflag:s25] =	ssyncadd.s32 $0xFFFFCE00  }
0x7d: {  	[hbm4b:s17+s1] =	stream.strided.scatter [tilespmem:s26], [sflag:$0xC], $0x3200, s19, s1, $0x38;
	[tilespmem:$0x1F400] =	vst v63  }
0x7e: {  	_ =	swait.ge [sflag:s28], $0x3200  }
0x7f: {  	[sflag:s28] =	ssyncset.done $0x0  }
0x80: {  	s29 =	simm.s32 $0x12C00;
	s17 =	sadd.s32 $0x3200, s13;
	[sflag:s28] =	ssyncadd.s32 $0xFFFFCE00  }
0x81: {  	[hbm4b:s17+s1] =	stream.strided.scatter [tilespmem:s29], [sflag:$0xD], $0x3200, s19, s1, $0x38;
	[tilespmem:$0x1F400] =	vst v63  }
0x82: {  	_ =	swait.ge [sflag:s30], $0x3200  }
0x83: {  	[sflag:s30] =	ssyncset.done $0x0  }
0x84: {  	s31 =	simm.s32 $0x15E00;
	s17 =	sadd.s32 $0x3E80, s13;
	[sflag:s30] =	ssyncadd.s32 $0xFFFFCE00  }
0x85: {  	[hbm4b:s17+s1] =	stream.strided.scatter [tilespmem:s31], [sflag:$0xE], $0x3200, s19, s1, $0x38;
	[tilespmem:$0x1F400] =	vst v63  }
0x86: {  	_ =	swait.ge [sflag:s2], $0x3200  }
0x87: {  	[sflag:s2] =	ssyncset.done $0x0  }
0x88: {  	s0 =	simm.s32 $0x19000;
	s17 =	sadd.s32 $0x4B00, s13;
	[sflag:s2] =	ssyncadd.s32 $0xFFFFCE00  }
0x89: {  	[hbm4b:s17+s1] =	stream.strided.scatter [tilespmem:s0], [sflag:$0xF], $0x3200, s19, s1, $0x38;
	[tilespmem:$0x1F400] =	vst v63  }
0x8a: {  	_ =	swait.ge [sflag:s4], $0x3200  }
0x8b: {  	[sflag:s4] =	ssyncset.done $0x0  }
0x8c: {  	s17 =	sadd.s32 $0x5780, s13;
	[sflag:s4] =	ssyncadd.s32 $0xFFFFCE00  }
0x8d: {  	[hbm4b:s17+s1] =	stream.strided.scatter [tilespmem:s20], [sflag:$0x10], $0x3200, s19, s1, $0x38;
	[tilespmem:$0x1F400] =	vst v63  }
0x8e: {  	_ =	swait.ge [sflag:s5], $0x3200  }
0x8f: {  	s14 =	sshra.s32 s14, $0x2;
	[sflag:s5] =	ssyncset.done $0x0  }
0x90: {  	s17 =	sadd.s32 $0x640, s14;
	s20 =	simm.s32 $0x6400;
	[sflag:s5] =	ssyncadd.s32 $0xFFFFCE00  }
0x91: {  	[tilespmem:s18], [sflag:$0x1] =	stream.indirect.gather [hbm4b:s3+s16], $0x40, s17, s16, $0xb8;
	[tilespmem:$0x1F400] =	vst v63  }
0x92: {  	_ =	swait.ge [sflag:s6], $0x3200  }
0x93: {  	[sflag:s6] =	ssyncset.done $0x0  }
0x94: {  	s17 =	sadd.s32 $0x708, s14;
	s18 =	simm.s32 $0x9600;
	[sflag:s6] =	ssyncadd.s32 $0xFFFFCE00  }
0x95: {  	[tilespmem:s22], [sflag:$0x2] =	stream.indirect.gather [hbm4b:s3+s16], $0x40, s17, s16, $0xb8;
	[tilespmem:$0x1F400] =	vst v63  }
0x96: {  	_ =	swait.ge [sflag:s7], $0x3200  }
0x97: {  	[sflag:s7] =	ssyncset.done $0x0  }
0x98: {  	s17 =	sadd.s32 $0x7D0, s14;
	s22 =	simm.s32 $0xC800;
	[sflag:s7] =	ssyncadd.s32 $0xFFFFCE00  }
0x99: {  	[tilespmem:s24], [sflag:$0x3] =	stream.indirect.gather [hbm4b:s3+s16], $0x40, s17, s16, $0xb8;
	[tilespmem:$0x1F400] =	vst v63  }
0x9a: {  	_ =	swait.ge [sflag:s8], $0x3200  }
0x9b: {  	[sflag:s8] =	ssyncset.done $0x0  }
0x9c: {  	s17 =	sadd.s32 $0x898, s14;
	s24 =	simm.s32 $0xFA00;
	[sflag:s8] =	ssyncadd.s32 $0xFFFFCE00  }
0x9d: {  	[tilespmem:s26], [sflag:$0x4] =	stream.indirect.gather [hbm4b:s3+s16], $0x40, s17, s16, $0xb8;
	[tilespmem:$0x1F400] =	vst v63  }
0x9e: {  	_ =	swait.ge [sflag:s9], $0x3200  }
0x9f: {  	[sflag:s9] =	ssyncset.done $0x0  }
0xa0: {  	s17 =	sadd.s32 $0x960, s14;
	s26 =	simm.s32 $0x12C00;
	[sflag:s9] =	ssyncadd.s32 $0xFFFFCE00  }
0xa1: {  	[tilespmem:s29], [sflag:$0x5] =	stream.indirect.gather [hbm4b:s3+s16], $0x40, s17, s16, $0xb8;
	[tilespmem:$0x1F400] =	vst v63  }
0xa2: {  	_ =	swait.ge [sflag:s10], $0x3200  }
0xa3: {  	[sflag:s10] =	ssyncset.done $0x0  }
0xa4: {  	s17 =	sadd.s32 $0xA28, s14;
	s29 =	simm.s32 $0x15E00;
	[sflag:s10] =	ssyncadd.s32 $0xFFFFCE00  }
0xa5: {  	[tilespmem:s31], [sflag:$0x6] =	stream.indirect.gather [hbm4b:s3+s16], $0x40, s17, s16, $0xb8;
	[tilespmem:$0x1F400] =	vst v63  }
0xa6: {  	_ =	swait.ge [sflag:s11], $0x3200  }
0xa7: {  	s17 =	sadd.s32 $0xAF0, s14;
	[sflag:s11] =	ssyncset.done $0x0  }
.Ltmp0:
0xa8: {  	s31 =	simm.s32 $0x19000;
	[sflag:s11] =	ssyncadd.s32 $0xFFFFCE00;
	(pc) =	sbr.rel @p0 .LBB2_2-.Ltmp0, $4  }
0xa9: {  	[tilespmem:s0], [sflag:$0x7] =	stream.indirect.gather [hbm4b:s3+s16], $0x40, s17, s16, $0xb8;
	[tilespmem:$0x1F400] =	vst v63  }
0xaa: {  	_ =	swait.ge [sflag:s12], $0x3200  }
0xab: {  	[sflag:s12] =	ssyncset.done $0x0  }
0xac: {  	s13 =	sadd.s32 $0x6400, s13;
	s14 =	sadd.s32 $0xBB8, s14;
	[sflag:s12] =	ssyncadd.s32 $0xFFFFCE00  }
0xad: {  	s0 =	simm.s32 $0x1C200;
	s13 =	simm.s32 $0x1  }
0xae: {  	[tilespmem:s0], [sflag:$0x8] =	stream.indirect.gather [hbm4b:s3+s16], $0x40, s14, s16, $0xb8;
	[tilespmem:$0x1F400] =	vst v63  }
0xaf: {  	_ =	swait.ge [sflag:s13], $0x3200  }
0xb0: {  	[sflag:s13] =	ssyncset.done $0x0  }
0xb1: {  	s14 =	rddreg [dreg:$0x4];
	[sflag:s13] =	ssyncadd.s32 $0xFFFFCE00  }
0xb2: {  	[hbm4b:s14+s1] =	stream.strided.scatter [tilespmem:s20], [sflag:$0x9], $0x3200, s19, s1, $0x38;
	[tilespmem:$0x1F400] =	vst v63  }
0xb3: {  	_ =	swait.ge [sflag:s21], $0x3200  }
0xb4: {  	[sflag:s21] =	ssyncset.done $0x0  }
0xb5: {  	s15 =	rddreg [dreg:$0x5];
	[sflag:s21] =	ssyncadd.s32 $0xFFFFCE00  }
0xb6: {  	[hbm4b:s15+s1] =	stream.strided.scatter [tilespmem:s18], [sflag:$0xA], $0x3200, s19, s1, $0x38;
	[tilespmem:$0x1F400] =	vst v63  }
0xb7: {  	_ =	swait.ge [sflag:s23], $0x3200  }
0xb8: {  	[sflag:s23] =	ssyncset.done $0x0  }
0xb9: {  	s17 =	rddreg [dreg:$0x6];
	[sflag:s23] =	ssyncadd.s32 $0xFFFFCE00  }
0xba: {  	[hbm4b:s17+s1] =	stream.strided.scatter [tilespmem:s22], [sflag:$0xB], $0x3200, s19, s1, $0x38;
	[tilespmem:$0x1F400] =	vst v63  }
0xbb: {  	_ =	swait.ge [sflag:s25], $0x3200  }
0xbc: {  	[sflag:s25] =	ssyncset.done $0x0  }
0xbd: {  	s18 =	rddreg [dreg:$0x7];
	[sflag:s25] =	ssyncadd.s32 $0xFFFFCE00  }
0xbe: {  	[hbm4b:s18+s1] =	stream.strided.scatter [tilespmem:s24], [sflag:$0xC], $0x3200, s19, s1, $0x38;
	[tilespmem:$0x1F400] =	vst v63  }
0xbf: {  	_ =	swait.ge [sflag:s28], $0x3200  }
0xc0: {  	[sflag:s28] =	ssyncset.done $0x0  }
0xc1: {  	s20 =	rddreg [dreg:$0x8];
	[sflag:s28] =	ssyncadd.s32 $0xFFFFCE00  }
0xc2: {  	[hbm4b:s20+s1] =	stream.strided.scatter [tilespmem:s26], [sflag:$0xD], $0x3200, s19, s1, $0x38;
	[tilespmem:$0x1F400] =	vst v63  }
0xc3: {  	_ =	swait.ge [sflag:s30], $0x3200  }
0xc4: {  	[sflag:s30] =	ssyncset.done $0x0  }
0xc5: {  	s22 =	rddreg [dreg:$0x9];
	[sflag:s30] =	ssyncadd.s32 $0xFFFFCE00  }
0xc6: {  	[hbm4b:s22+s1] =	stream.strided.scatter [tilespmem:s29], [sflag:$0xE], $0x3200, s19, s1, $0x38;
	[tilespmem:$0x1F400] =	vst v63  }
0xc7: {  	_ =	swait.ge [sflag:s2], $0x3200  }
0xc8: {  	[sflag:s2] =	ssyncset.done $0x0  }
0xc9: {  	s24 =	rddreg [dreg:$0xa];
	[sflag:s2] =	ssyncadd.s32 $0xFFFFCE00  }
0xca: {  	[hbm4b:s24+s1] =	stream.strided.scatter [tilespmem:s31], [sflag:$0xF], $0x3200, s19, s1, $0x38;
	[tilespmem:$0x1F400] =	vst v63  }
0xcb: {  	_ =	swait.ge [sflag:s4], $0x3200  }
0xcc: {  	[sflag:s4] =	ssyncset.done $0x0  }
0xcd: {  	s26 =	rddreg [dreg:$0xb];
	[sflag:s4] =	ssyncadd.s32 $0xFFFFCE00  }
0xce: {  	[hbm4b:s26+s1] =	stream.strided.scatter [tilespmem:s0], [sflag:$0x10], $0x3200, s19, s1, $0x38;
	[tilespmem:$0x1F400] =	vst v63  }
0xcf: {  	_ =	swait.ge [sflag:s5], $0x3200  }
0xd0: {  	[sflag:s5] =	ssyncset.done $0x0  }
0xd1: {  	[sflag:s5] =	ssyncadd.s32 $0xFFFFCE00  }
0xd2: {  	_ =	swait.ge [sflag:s6], $0x3200  }
0xd3: {  	[sflag:s6] =	ssyncset.done $0x0  }
0xd4: {  	[sflag:s6] =	ssyncadd.s32 $0xFFFFCE00  }
0xd5: {  	_ =	swait.ge [sflag:s7], $0x3200  }
0xd6: {  	[sflag:s7] =	ssyncset.done $0x0  }
0xd7: {  	[sflag:s7] =	ssyncadd.s32 $0xFFFFCE00  }
0xd8: {  	_ =	swait.ge [sflag:s8], $0x3200  }
0xd9: {  	[sflag:s8] =	ssyncset.done $0x0  }
0xda: {  	[sflag:s8] =	ssyncadd.s32 $0xFFFFCE00  }
0xdb: {  	_ =	swait.ge [sflag:s9], $0x3200  }
0xdc: {  	[sflag:s9] =	ssyncset.done $0x0  }
0xdd: {  	[sflag:s9] =	ssyncadd.s32 $0xFFFFCE00  }
0xde: {  	_ =	swait.ge [sflag:s10], $0x3200  }
0xdf: {  	[sflag:s10] =	ssyncset.done $0x0  }
0xe0: {  	[sflag:s10] =	ssyncadd.s32 $0xFFFFCE00  }
0xe1: {  	_ =	swait.ge [sflag:s11], $0x3200  }
0xe2: {  	[sflag:s11] =	ssyncset.done $0x0  }
0xe3: {  	[sflag:s11] =	ssyncadd.s32 $0xFFFFCE00  }
0xe4: {  	_ =	swait.ge [sflag:s12], $0x3200  }
0xe5: {  	s29 =	rddreg [dreg:$0xe]  }
0xe6: {  	s31 =	rddreg [dreg:$0xc];
	s0 =	sadd.s32 $0x1, s29  }
0xe7: {  	p0 =	sne.s32 s0, s31  }
.Ltmp1:
0xe8: {  	_ = 	snop;
	(pc) =	sbr.rel @p0 .LBB2_1-.Ltmp1, $3  }
0xe9: {  	_ =	sdelay $0x1  }
0xea: {  	[sflag:s12] =	ssyncset.done $0x0  }
0xeb: {  	[sflag:s12] =	ssyncadd.s32 $0xFFFFCE00  }
0xec: {  	_ =	sfence.sel $0x180000  }
0xed: {  	[bflag:$0x0] =	sbarrier.arrive $0xFFFF  }
0xee: {  	_ =	strace $0x9000004A  }
0xef: {  	s0 =	stileid.u32;
	[bflag:$0x2] =	sbarrier.arrive $0xFFFF  }
0xf0: {  	p0 =	sne.s32 s0, $0x0;
	s0 =	rddreg [dreg:$0x2]  }
0xf1: {  	s0 =	sadd.s32 @!p0 $0x100000, s0  }
0xf2: {  	[sflag:s0] =	ssyncadd.tile.s32 @!p0 $0x1;
	_ =	shalt  }
.Lfunc_end2:
_tile_overlayer_lowered:
.L_overlay_start_2:
0xf3: {  	(tag) =	ssettag $0x2  }
0xf4: {  	s0 =	rddreg [dreg:$0x0];
	s2 =	stileid.u32  }
0xf5: {  	s1 =	rddreg [dreg:$0x1];
	p0 =	sne.s32 s2, $0x0  }
0xf6: {  	s3 =	rddreg [dreg:$0x2];
	[bflag:$0x3] =	sbarrier.arrive $0xFFFF;
	s2 =	simm.s32 @!p0 $0x1C11  }
0xf7: {  	[timem:s3], [sflag:s2] =	dma.local @!p0 [hbm:s0], s1  }
0xf8: {  	s0 =	simm.s32 @!p0 $0x11  }
0xf9: {  	_ =	swait.ge @!p0 [sflag:s0], s1  }
0xfa: {  	s1 =	ssub.s32 @!p0 $0x0, s1;
	[sflag:s0] =	ssyncset.done @!p0 $0x0  }
0xfb: {  	[sflag:s0] =	ssyncadd.s32 @!p0 s1  }
0xfc: {  	[bflag:$0x3] =	sbarrier.arrive $0xFFFF  }
0xfd: {  	_ =	shalt  }

// kernel: sparse-core-data-format-call.1.cloned.1.call-start
scs
called_computation.1_lowered:
.L_overlay_start_0:
0x0: {  	s2 =	sld [smem:$0x3FD9]  }
0x1: {  	s3 =	sld [smem:$0x3FFE];
	_ =	sdelay $0x1  }
0x2: {  	s1 =	srdreg.scid  }
0x3: {  	s0 =	sand.u32 $0x1, s1  }
0x4: {  	s18 =	sshll.u32 s0, $0xA;
	s2 =	sadd.s32 s3, s2  }
0x5: {  	s2 =	sadd.s32 s2, s18  }
0x6: {  	[smem:$0x3FC6] =	sst s2  }
0x7: {  	_ = 	snop  }
0x8: {  	s2 =	sld [smem:$0x3FC8];
	(tm) =	ssettm $0x1  }
0x9: {  	s19 =	sld [smem:$0x3FFB];
	_ =	sdelay $0x3  }
0xa: {  	_ =	strace s19  }
0xb: {  	s3 =	sld [smem:$0x3FFC];
	_ =	sdelay $0x3  }
0xc: {  	_ =	strace s3  }
0xd: {  	s3 =	sld [smem:$0x3FFD];
	_ =	sdelay $0x3  }
0xe: {  	_ =	strace s3  }
0xf: {  	_ =	strace $0x8FFFFFFF  }
0x10: {  	s20 =	sld [smem:$0x3FDB];
	_ =	sdelay $0x1  }
0x11: {  	s4 =	simm.s32 $_scs_section_size  }
0x12: {  	s5 =	simm.s32 $_size__tile_overlayer_lowered;
	s6 =	simm.s32 $_tile_overlayer_lowered  }
0x13: {  	s23 =	simm.s32 $0x1BFF;
	s22 =	sshll.u32 s6, $0x1;
	s3 =	sadd.s32 s4, s20  }
0x14: {  	s7 =	simm.s32 $0x0;
	s21 =	sshll.u32 s5, $0x1;
	s5 =	sadd.s32 s22, s3  }
0x15: {  	[timem:s7], [sflag:s23] =	dma.local [hbm:s5], s21  }
0x16: {  	_ =	swait.ge [sflag:s23], s21  }
0x17: {  	s4 =	ssub.s32 $0x0, s21;
	[sflag:s23] =	ssyncset.done $0x0  }
0x18: {  	[sflag:s23] =	ssyncadd.s32 s4;
	_ =	sdelay $0x1  }
0x19: {  	s24 =	simm.s32 $0x1B8B  }
0x1a: {  	_ =	swait.ge [sflag:s24], $0x1  }
0x1b: {  	[sflag:s24] =	ssyncset.done $0x0  }
0x1c: {  	s26 =	simm.s32 $0x1B8E;
	s25 =	sld [smem:$0x3FFE];
	[sflag:s24] =	ssyncadd.s32 $0xFFFFFFFF  }
0x1d: {  	s27 =	simm.s32 $execute0_lowered;
	[smem:$0x3FD2] =	sst s26  }
0x1e: {  	s5 =	sshll.u32 s27, $0x1;
	_ =	strace $0x80000046;
	[dreg:$0x1] =	wrdreg $0xFFFFFFFF  }
0x1f: {  	s28 =	simm.s32 $_size_execute0_lowered;
	s3 =	sadd.s32 s3, s5;
	[dreg:$0x0] =	wrdreg $0x0  }
0x20: {  	s5 =	sshll.u32 s28, $0x1;
	[dreg:$0x2] =	wrdreg s3  }
0x21: {  	[dreg:$0x3] =	wrdreg s5  }
0x22: {  	[dreg:$0x4] =	wrdreg $0xC0  }
0x23: {  	_ =	task [dreg:s7], $0x5FFFF  }
0x24: {  	[dreg:$0x1] =	wrdreg $0xFFFFFFFF  }
0x25: {  	[dreg:$0x0] =	wrdreg $0x60  }
0x26: {  	[dreg:$0x2] =	wrdreg s2  }
0x27: {  	[dreg:$0x3] =	wrdreg s25  }
0x28: {  	[dreg:$0x4] =	wrdreg $0x9  }
0x29: {  	_ =	task.clear_ibuf [dreg:s7], $0x5FFFF;
	_ =	strace $0x90000046  }
0x2a: {  	s29 =	simm.s32 $0x9;
	_ =	strace $0x80000048  }
0x2b: {  	_ =	swait.ge [sflag:s29], $0x1  }
0x2c: {  	[sflag:s29] =	ssyncadd.s32 $0xFFFFFFFF  }
0x2d: {  	_ =	strace $0x90000048  }
0x2e: {  	_ =	sfence  }
0x2f: {  	s30 =	sld [smem:$0x0];
	_ =	sdelay $0x2  }
0x30: {  	s31 =	sshll.u32 s1, $0xD;
	s1 =	sshrl.u32 s1, $0x2  }
0x31: {  	s3 =	sand.u32 $0x4000, s31;
	s1 =	sadd.s32 s1, s30  }
0x32: {  	s0 =	sor.u32 s3, s0;
	s1 =	sshll.u32 s1, $0x11  }
0x33: {  	s0 =	sor.u32 s1, s0  }
0x34: {  	s0 =	sadd.s32 $0x8F2B, s0  }
0x35: {  	[sflag:s0] =	ssyncadd.remote.s32 $0x1  }
0x36: {  	_ =	sfence.sel $0xFFFF  }
0x37: {  	[dreg:$0x0] =	wrdreg $0xFFFFFFFF;
	(pc) =	sbr.abs _section_cstart, $3  }
0x38: {  	[dreg:$0x1] =	wrdreg $0xFFFFFFFF  }
0x39: {  	_ =	task.clear_ibuf [dreg:s7], $0x2FFFF;
	_ =	strace $0x9FFFFFFF  }
0x3a: {  	(tm) =	ssettm $0x7FFFFFFF  }
0x3b: {  	_ =	shalt  }
tec
execute0_lowered:
.L_overlay_start_1:
0x0: {  	(tag) =	ssettag $0x1  }
0x1: {  	s0 =	srdreg.scid;
	s2 =	rddreg [dreg:$0x0]  }
0x2: {  	s5 =	rddreg [dreg:$0x1];
	s1 =	stileid.u32  }
0x3: {  	s4 =	simm.s32 $0x1;
	s6 =	simm.s32 $0x2;
	s15 =	simm.s32 $0x0  }
0x4: {  	p0 =	por $0x0, $0x0;
	s8 =	simm.s32 $0x80;
	s0 =	sshll.u32 s0, $0x4  }
0x5: {  	s14 =	simm.s32 $0x0;
	s9 =	simm.s32 $0x0;
	s3 =	sand.u32 $0x10, s0  }
.Ltmp0:
0x6: {  	s10 =	simm.s32 $0x0;
	s3 =	sor.u32 s1, s3;
	(pc) =	sbr.rel .LBB1_1-.Ltmp0, $4  }
0x7: {  	s0 =	rddreg [dreg:$0x2];
	_ =	strace $0x80000047;
	s3 =	sshll.u32 s3, $0x7  }
0x8: {  	s12 =	simm.s32 $0x0;
	[sflag:s4] =	ssyncpa.u1 $0x0;
	s7 =	ssub.s32 $0xF4200, s3  }
0x9: {  	s13 =	simm.s32 $0x0;
	[sflag:s6] =	ssyncpa.u1 $0x0;
	s6 =	sshrl.u32 s7, $0xC  }
0xa: {  	s5 =	sadd.s32 $0xE00, s5;
	s11 =	smov.u32 s3;
	s7 =	sadd.s32 $0x2, s6  }
.LBB1_5:
0xb: {  	p1 =	slt.u32 s13, $0x2  }
0xc: {  	s17 =	smov.u32 s15;
	p2 =	sgt.s32 @!p1 s15, $0xF41C0;
	s16 =	sshra.s32 @!p1 s15, $0x1F  }
0xd: {  	p3 =	sgt.s32 @!p1 s14, $0x40;
	s18 =	sshra.s32 @!p1 s14, $0x1F;
	p2 =	por !p2, p1  }
0xe: {  	s15 =	sand.u32 @!p1 s16, s15;
	p3 =	por !p3, p1;
	s16 =	smov.u32 s14  }
0xf: {  	s14 =	sand.u32 @!p1 s18, s14;
	s17 =	simm.s32 @p2 $0xF41C0;
	s16 =	simm.s32 @p3 $0x40  }
0x10: {  	s15 =	ssub.s32 @!p1 s17, s15;
	s14 =	ssub.s32 @!p1 s16, s14  }
0x11: {  	s18 =	smov.u32 s12;
	s16 =	sadd.s32 @!p1 $0xFFF0BE40, s15;
	s17 =	sadd.s32 @!p1 $0xFFFFFFC0, s14  }
0x12: {  	s15 =	ssub.s32 @!p1 $0xF4240, s15;
	p2 =	sgt.s32 @!p1 s16, $0x7F;
	p3 =	sgt.s32 @!p1 s17, $0x3F  }
0x13: {  	s14 =	ssub.s32 @!p1 $0x80, s14;
	p2 =	por !p2, p1;
	p3 =	por !p3, p1  }
0x14: {  	s16 =	sadd.s32 $0x1000, s11;
	s15 =	simm.s32 @!p2 $0x0;
	s14 =	simm.s32 @!p3 $0x0  }
0x15: {  	p2 =	sgt.s32 s16, $0xF423F;
	s14 =	smul.u32 @!p1 s14, s15;
	s15 =	sadd.s32 $0x40, s12  }
0x16: {  	s18 =	smov.u32 @p2 s15  }
0x17: {  	s16 =	smov.u32 @p2 s3;
	p2 =	sgt.s32 s18, $0x3F  }
0x18: {  	s18 =	simm.s32 @p2 $0x0;
	p2 =	sne.s32 s13, s7  }
.Ltmp1:
0x19: {  	p0 =	por !p0, !p0;
	s17 =	simm.s32 @!p1 $0x2;
	(pc) =	sbr.rel @!p2 .LBB1_6-.Ltmp1, $4  }
0x1a: {  	s15 =	smov.u32 s9;
	s9 =	smov.u32 s11;
	s14 =	sand.u32 @!p1 $0x3FFFFFFF, s14  }
0x1b: {  	s11 =	smov.u32 s16;
	_ =	swait.ge @!p1 [sflag:s17], s14;
	s19 =	ssub.s32 @!p1 $0x0, s14  }
0x1c: {  	s14 =	smov.u32 s10;
	s13 =	sadd.s32 $0x1, s13;
	[sflag:s17] =	ssyncset.done @!p1 $0x0  }
0x1d: {  	s10 =	smov.u32 s12;
	s12 =	smov.u32 s18;
	[sflag:s17] =	ssyncadd.s32 @!p1 s19  }
.LBB1_1:
0x1e: {  	p1 =	sgt.u32 s13, s6  }
0x1f: {  	s16 =	sshrl.u32 @!p1 s12, $0x3  }
0x20: {  	s17 =	sshll.u32 @!p1 s11, $0x3;
	s16 =	smul.u32 @!p1 $0x7A1400, s16  }
0x21: {  	s18 =	sshll.u32 @!p1 s12, $0x7;
	s17 =	sand.u32 @!p1 $0xFFFFFC00, s17  }
0x22: {  	s16 =	sadd.s32 @!p1 s16, s17;
	s17 =	sand.u32 @!p1 $0x380, s18  }
0x23: {  	s18 =	sand.u32 @!p1 $0x7F, s11;
	s16 =	sor.u32 @!p1 s17, s16  }
0x24: {  	s17 =	sor.u32 @!p1 s18, s16  }
0x25: {  	s18 =	smulhi.u32 @!p1 $0x218D6287, s17;
	_ =	sdelay $0x1  }
0x26: {  	s16 =	smulhi.u32 @!p1 $0x218D6287, s16;
	s18 =	sshrl.u32 @!p1 s18, $0x11  }
0x27: {  	s18 =	smul.u32 @!p1 $0xF4280, s18  }
0x28: {  	s19 =	sxor.u32 @!p1 $0xFFFFFFFF, s13;
	s16 =	sshrl.u32 @!p1 s16, $0x11  }
0x29: {  	s19 =	sshll.u32 @!p1 s19, $0xD;
	s16 =	sand.u32 @!p1 $0x3F, s16;
	s17 =	ssub.s32 @!p1 s17, s18  }
0x2a: {  	s16 =	smul.u32 @!p1 $0x1E850, s16;
	s18 =	sshrl.u32 @!p1 s17, $0x3;
	s17 =	sand.u32 @!p1 $0x7, s17  }
0x2b: {  	s19 =	sand.u32 @!p1 $0x2000, s19;
	s18 =	sadd.s32 @!p1 s2, s18;
	s17 =	sshll.u32 @!p1 s17, $0x12  }
0x2c: {  	s16 =	sadd.s32 @!p1 s16, s18;
	s17 =	sor.u32 @!p1 $0x400, s17;
	s18 =	simm.s32 @!p1 $0x7A1400  }
0x2d: {  	[tilespmem:s19], [sflag:$0x1] =	stream.strided.gather @!p1 [hbm4b:s16+s17], $0x2000, s18, s17, $0x38;
	[tilespmem:$0x8100] =	vst v63  }
0x2e: {  	p1 =	seq.s32 s13, $0x0  }
0x2f: {  	p2 =	sge.u32 @!p1 s13, s7  }
0x30: {  	p1 =	por p1, p2  }
.Ltmp2:
0x31: {  	_ = 	snop;
	(pc) =	sbr.rel @p1 .LBB1_5-.Ltmp2, $1  }
0x32: {  	_ =	sdelay $0x3  }
0x33: {  	s16 =	simm.s32 $0x1  }
0x34: {  	_ =	swait.ge [sflag:s4], $0x2000;
	s16 =	simm.s32 @!p0 $0x0  }
0x35: {  	[sflag:s4] =	ssyncset.done $0x0;
	s17 =	sshll.u32 s16, $0xD  }
0x36: {  	[sflag:s4] =	ssyncadd.s32 $0xFFFFE000;
	s17 =	sor.u32 $0x40, s17  }
0x37: {  	s16 =	smul.u32 $0x8200, s16;
	v0 =	vld [tilespmem:s17+$0x30]  }
0x38: {  	v1 =	vld [tilespmem:s17+$0xFFFFFFD0]  }
0x39: {  	s16 =	sshrl.u32 s16, $0x2;
	v5 =	vld [tilespmem:s17+$0xFFFFFFE0]  }
0x3a: {  	v6 =	vld [tilespmem:s17+$0xFFFFFFF0];
	s19 =	sor.u32 $0x4000, s16  }
0x3b: {  	s31 =	sand.u32 $0x1, s13;
	v4 =	vld [tilespmem:s17+$0x0];
	s18 =	sadd.s32 $0x0, s19  }
0x3c: {  	v3 =	vld [tilespmem:s17+$0x10];
	s16 =	smul.u32 $0x8200, s31;
	[tilespmem:s18+$0x1C70 ss:$0x41] =	vst.msk $0xffff, v0  }
0x3d: {  	v2 =	vld [tilespmem:s17+$0x20];
	[tilespmem:s18+$0x410 ss:$0x41] =	vst.msk $0xffff, v1  }
0x3e: {  	s16 =	sshrl.u32 s16, $0x2;
	v1 =	vld [tilespmem:s17+$0xFFFFFFC0];
	[tilespmem:s18+$0x820 ss:$0x41] =	vst.msk $0xffff, v5;
	s17 =	sadd.s32 $0x80, s17  }
0x3f: {  	s20 =	simm.s32 $0x4;
	s21 =	simm.s32 $0x8;
	s16 =	sor.u32 $0x4000, s16;
	[tilespmem:s18+$0xC30 ss:$0x41] =	vst.msk $0xffff, v6;
	v0 =	vld [tilespmem:s17+$0x30]  }
.LBB1_3:
0x40: {  	p1 =	sne.s32 s21, $0xFC;
	v5 =	vld [tilespmem:s17+$0xFFFFFFD0];
	[tilespmem:s18+$0x1040 ss:$0x41] =	vst.msk $0xffff, v4  }
0x41: {  	v6 =	vld [tilespmem:s17+$0xFFFFFFE0];
	[tilespmem:s18+$0x1450 ss:$0x41] =	vst.msk $0xffff, v3  }
0x42: {  	s22 =	sshra.s32 s20, $0x2;
	s20 =	smov.u32 s21;
	v7 =	vld [tilespmem:s17+$0xFFFFFFF0];
	[tilespmem:s18+$0x1860 ss:$0x41] =	vst.msk $0xffff, v2  }
.Ltmp3:
0x43: {  	v4 =	vld [tilespmem:s17+$0x0];
	[tilespmem:s18+$0x0 ss:$0x41] =	vst.msk $0xffff, v1;
	s18 =	sadd.s32 s22, s19;
	(pc) =	sbr.rel @p1 .LBB1_3-.Ltmp3, $4  }
0x44: {  	v3 =	vld [tilespmem:s17+$0x10];
	[tilespmem:s18+$0x1C70 ss:$0x41] =	vst.msk $0xffff, v0  }
0x45: {  	[tilespmem:s18+$0x410 ss:$0x41] =	vst.msk $0xffff, v5;
	v2 =	vld [tilespmem:s17+$0x20]  }
0x46: {  	v1 =	vld [tilespmem:s17+$0xFFFFFFC0];
	[tilespmem:s18+$0x820 ss:$0x41] =	vst.msk $0xffff, v6;
	s17 =	sadd.s32 $0x80, s17  }
0x47: {  	s21 =	sadd.s32 $0x4, s21;
	v0 =	vld [tilespmem:s17+$0x30];
	[tilespmem:s18+$0xC30 ss:$0x41] =	vst.msk $0xffff, v7  }
0x48: {  	s21 =	sshll.u32 s9, $0x7;
	s22 =	sshll.u32 s10, $0x3;
	s20 =	sshra.s32 s20, $0x2  }
0x49: {  	p1 =	sgt.s32 s9, $0xF41C0;
	s30 =	sshra.s32 s9, $0x1F;
	s25 =	sshra.s32 s10, $0x1F  }
0x4a: {  	v5 =	vld [tilespmem:s17+$0xFFFFFFD0];
	s28 =	sshrl.u32 s10, $0x3;
	s23 =	sand.u32 $0xFFFFFC00, s21;
	s22 =	sand.u32 $0xFFFFFC00, s22  }
0x4b: {  	[tilespmem:s18+$0x1040 ss:$0x41] =	vst.msk $0xffff, v4;
	v58 =	vld [tilespmem:s17+$0xFFFFFFE0];
	s21 =	sand.u32 $0x380, s21;
	s19 =	sadd.s32 s20, s19;
	s22 =	sadd.s32 s22, s23  }
0x4c: {  	v59 =	vld [tilespmem:s17+$0xFFFFFFF0];
	[tilespmem:s18+$0x1450 ss:$0x41] =	vst.msk $0xffff, v3;
	s29 =	sor.u32 s21, s22;
	s21 =	smov.u32 s9;
	s22 =	sand.u32 s30, s9  }
0x4d: {  	v60 =	vld [tilespmem:s17+$0x0];
	[tilespmem:s18+$0x1860 ss:$0x41] =	vst.msk $0xffff, v2;
	s30 =	sand.u32 $0x7, s10;
	s20 =	sshrl.u32 s29, $0x7;
	s21 =	simm.s32 @!p1 $0xF41C0  }
0x4e: {  	v61 =	vld [tilespmem:s17+$0x10];
	[tilespmem:s18+$0x0 ss:$0x41] =	vst.msk $0xffff, v1;
	p1 =	sgt.s32 s10, $0x40;
	s24 =	ssub.s32 s21, s22;
	s21 =	smov.u32 s10  }
0x4f: {  	v62 =	vld [tilespmem:s17+$0x20];
	[tilespmem:s19+$0x1C70 ss:$0x41] =	vst.msk $0xffff, v0;
	s31 =	smulhi.u32 $0x218DEF5, s20;
	s22 =	sand.u32 s25, s10;
	s21 =	simm.s32 @!p1 $0x40  }
0x50: {  	v63 =	vld [tilespmem:s17+$0xFFFFFFC0];
	[tilespmem:s19+$0x410 ss:$0x41] =	vst.msk $0xffff, v5;
	s26 =	sadd.s32 $0xFFF0BE40, s24;
	s17 =	ssub.s32 $0xF4240, s24;
	s21 =	ssub.s32 s21, s22  }
0x51: {  	[tilespmem:s19+$0x820 ss:$0x41] =	vst.msk $0xffff, v58;
	s23 =	sshrl.u32 s31, $0xD;
	p1 =	sgt.s32 s26, $0x7F;
	s27 =	sadd.s32 $0xFFFFFFC0, s21  }
0x52: {  	[tilespmem:s19+$0xC30 ss:$0x41] =	vst.msk $0xffff, v59;
	s23 =	smul.u32 $0xF4240, s23;
	s18 =	ssub.s32 $0x80, s21;
	p2 =	sgt.s32 s27, $0x3F  }
.Ltmp4:
0x53: {  	[tilespmem:s19+$0x1040 ss:$0x41] =	vst.msk $0xffff, v60;
	s17 =	simm.s32 @p1 $0x0;
	s18 =	simm.s32 @p2 $0x0;
	(pc) =	sbr.rel .LBB1_5-.Ltmp4, $4  }
0x54: {  	s29 =	sand.u32 $0xF, s28;
	[tilespmem:s19+$0x1450 ss:$0x41] =	vst.msk $0xffff, v61;
	s20 =	ssub.s32 s20, s23;
	s17 =	smul.u32 s18, s17  }
0x55: {  	[tilespmem:s19+$0x1860 ss:$0x41] =	vst.msk $0xffff, v62;
	s21 =	sshll.u32 s30, $0x12;
	s20 =	sshll.u32 s20, $0x4;
	s18 =	sadd.s32 s5, s29  }
0x56: {  	[tilespmem:s19+$0x0 ss:$0x41] =	vst.msk $0xffff, v63;
	s31 =	sor.u32 $0x40, s21;
	s18 =	sadd.s32 s20, s18;
	s17 =	sand.u32 $0x3FFFFFFF, s17  }
0x57: {  	[hbm4b:s18+s31] =	stream.strided.scatter [tilespmem:s16], [sflag:$0x2], s17, s8, s31, $0x18;
	[tilespmem:$0x8100] =	vst v63  }
.LBB1_6:
0x58: {  	_ =	sfence.sel $0x180000  }
0x59: {  	s2 =	simm.s32 $0x1;
	[bflag:$0x0] =	sbarrier.arrive $0xFFFF  }
0x5a: {  	s31 =	simm.s32 $0x2;
	[sflag:s2] =	ssyncpa.u1 $0x1  }
0x5b: {  	[sflag:s31] =	ssyncpa.u1 $0x1  }
0x5c: {  	p0 =	sne.s32 s1, $0x0;
	_ =	strace $0x90000047  }
0x5d: {  	s0 =	sadd.s32 @!p0 $0x100000, s0;
	[bflag:$0x2] =	sbarrier.arrive $0xFFFF  }
0x5e: {  	[sflag:s0] =	ssyncadd.tile.s32 @!p0 $0x1;
	_ =	shalt  }
.Lfunc_end1:
_tile_overlayer_lowered:
.L_overlay_start_2:
0x5f: {  	(tag) =	ssettag $0x2  }
0x60: {  	s0 =	rddreg [dreg:$0x0];
	s2 =	stileid.u32  }
0x61: {  	s1 =	rddreg [dreg:$0x1];
	p0 =	sne.s32 s2, $0x0  }
0x62: {  	s3 =	rddreg [dreg:$0x2];
	[bflag:$0x3] =	sbarrier.arrive $0xFFFF;
	s2 =	simm.s32 @!p0 $0x1C01  }
0x63: {  	[timem:s3], [sflag:s2] =	dma.local @!p0 [hbm:s0], s1  }
0x64: {  	s0 =	simm.s32 @!p0 $0x1  }
0x65: {  	_ =	swait.ge @!p0 [sflag:s0], s1  }
0x66: {  	s1 =	ssub.s32 @!p0 $0x0, s1;
	[sflag:s0] =	ssyncset.done @!p0 $0x0  }
0x67: {  	[sflag:s0] =	ssyncadd.s32 @!p0 s1  }
0x68: {  	[bflag:$0x3] =	sbarrier.arrive $0xFFFF  }
0x69: {  	_ =	shalt  }

// kernel: sparse-core-data-format-call.cloned.1.call-start
scs
called_computation_lowered:
.L_overlay_start_0:
0x0: {  	s2 =	sld [smem:$0x3FD9]  }
0x1: {  	s3 =	sld [smem:$0x3FFE];
	_ =	sdelay $0x1  }
0x2: {  	s1 =	srdreg.scid  }
0x3: {  	s0 =	sand.u32 $0x1, s1  }
0x4: {  	s18 =	sshll.u32 s0, $0xA;
	s2 =	sadd.s32 s3, s2  }
0x5: {  	s2 =	sadd.s32 s2, s18  }
0x6: {  	[smem:$0x3FC6] =	sst s2  }
0x7: {  	_ = 	snop  }
0x8: {  	s2 =	sld [smem:$0x3FD0];
	(tm) =	ssettm $0x1  }
0x9: {  	s19 =	sld [smem:$0x3FFB];
	_ =	sdelay $0x3  }
0xa: {  	_ =	strace s19  }
0xb: {  	s3 =	sld [smem:$0x3FFC];
	_ =	sdelay $0x3  }
0xc: {  	_ =	strace s3  }
0xd: {  	s3 =	sld [smem:$0x3FFD];
	_ =	sdelay $0x3  }
0xe: {  	_ =	strace s3  }
0xf: {  	_ =	strace $0x8FFFFFFF  }
0x10: {  	s20 =	sld [smem:$0x3FDB];
	_ =	sdelay $0x1  }
0x11: {  	s4 =	simm.s32 $_scs_section_size  }
0x12: {  	s5 =	simm.s32 $_size__tile_overlayer_lowered;
	s6 =	simm.s32 $_tile_overlayer_lowered  }
0x13: {  	s23 =	simm.s32 $0x1BFF;
	s22 =	sshll.u32 s6, $0x1;
	s3 =	sadd.s32 s4, s20  }
0x14: {  	s7 =	simm.s32 $0x0;
	s21 =	sshll.u32 s5, $0x1;
	s5 =	sadd.s32 s22, s3  }
0x15: {  	[timem:s7], [sflag:s23] =	dma.local [hbm:s5], s21  }
0x16: {  	_ =	swait.ge [sflag:s23], s21  }
0x17: {  	s4 =	ssub.s32 $0x0, s21;
	[sflag:s23] =	ssyncset.done $0x0  }
0x18: {  	[sflag:s23] =	ssyncadd.s32 s4;
	_ =	sdelay $0x1  }
0x19: {  	s24 =	simm.s32 $0x1B8B  }
0x1a: {  	_ =	swait.ge [sflag:s24], $0x1  }
0x1b: {  	[sflag:s24] =	ssyncset.done $0x0  }
0x1c: {  	s26 =	simm.s32 $0x1B8E;
	s25 =	sld [smem:$0x3FFE];
	[sflag:s24] =	ssyncadd.s32 $0xFFFFFFFF  }
0x1d: {  	s27 =	simm.s32 $execute0_lowered;
	[smem:$0x3FD2] =	sst s26  }
0x1e: {  	s5 =	sshll.u32 s27, $0x1;
	_ =	strace $0x8000004C;
	[dreg:$0x1] =	wrdreg $0xFFFFFFFF  }
0x1f: {  	s28 =	simm.s32 $_size_execute0_lowered;
	s3 =	sadd.s32 s3, s5;
	[dreg:$0x0] =	wrdreg $0x0  }
0x20: {  	s5 =	sshll.u32 s28, $0x1;
	[dreg:$0x2] =	wrdreg s3  }
0x21: {  	[dreg:$0x3] =	wrdreg s5  }
0x22: {  	[dreg:$0x4] =	wrdreg $0xC0  }
0x23: {  	_ =	task [dreg:s7], $0x5FFFF  }
0x24: {  	[dreg:$0x1] =	wrdreg $0xFFFFFFFF  }
0x25: {  	[dreg:$0x0] =	wrdreg $0x60  }
0x26: {  	[dreg:$0x2] =	wrdreg s25  }
0x27: {  	[dreg:$0x3] =	wrdreg s2  }
0x28: {  	[dreg:$0x4] =	wrdreg $0x9  }
0x29: {  	_ =	task.clear_ibuf [dreg:s7], $0x5FFFF;
	_ =	strace $0x9000004C  }
0x2a: {  	s29 =	simm.s32 $0x9;
	_ =	strace $0x8000004E  }
0x2b: {  	_ =	swait.ge [sflag:s29], $0x1  }
0x2c: {  	[sflag:s29] =	ssyncadd.s32 $0xFFFFFFFF  }
0x2d: {  	_ =	strace $0x9000004E  }
0x2e: {  	_ =	sfence  }
0x2f: {  	s30 =	sld [smem:$0x0];
	_ =	sdelay $0x2  }
0x30: {  	s31 =	sshll.u32 s1, $0xD;
	s1 =	sshrl.u32 s1, $0x2  }
0x31: {  	s3 =	sand.u32 $0x4000, s31;
	s1 =	sadd.s32 s1, s30  }
0x32: {  	s0 =	sor.u32 s3, s0;
	s1 =	sshll.u32 s1, $0x11  }
0x33: {  	s0 =	sor.u32 s1, s0  }
0x34: {  	s0 =	sadd.s32 $0x8F2B, s0  }
0x35: {  	[sflag:s0] =	ssyncadd.remote.s32 $0x1  }
0x36: {  	_ =	sfence.sel $0xFFFF  }
0x37: {  	[dreg:$0x0] =	wrdreg $0xFFFFFFFF;
	(pc) =	sbr.abs _section_cstart, $3  }
0x38: {  	[dreg:$0x1] =	wrdreg $0xFFFFFFFF  }
0x39: {  	_ =	task.clear_ibuf [dreg:s7], $0x2FFFF;
	_ =	strace $0x9FFFFFFF  }
0x3a: {  	(tm) =	ssettm $0x7FFFFFFF  }
0x3b: {  	_ =	shalt  }
tec
execute0_lowered:
.L_overlay_start_1:
0x0: {  	(tag) =	ssettag $0x1  }
0x1: {  	s0 =	srdreg.scid  }
0x2: {  	s1 =	sshll.u32 s0, $0x4  }
0x3: {  	s0 =	stileid.u32;
	s1 =	sand.u32 $0x10, s1  }
0x4: {  	s1 =	sor.u32 s0, s1  }
0x5: {  	s6 =	rddreg [dreg:$0x0];
	s4 =	simm.s32 $0x1;
	s2 =	sshll.u32 s1, $0x7  }
0x6: {  	s7 =	simm.s32 $0x2;
	s12 =	simm.s32 $0x0;
	s1 =	ssub.s32 $0x1000, s2  }
0x7: {  	s8 =	simm.s32 $0x8000;
	s13 =	simm.s32 $0x0;
	s3 =	sand.u32 $0xF80, s1  }
0x8: {  	s9 =	simm.s32 $0x0;
	s5 =	sshrl.u32 s1, $0xC;
	p0 =	sne.s32 s3, $0x0  }
.Ltmp0:
0x9: {  	s1 =	rddreg [dreg:$0x2];
	s4 =	simm.s32 @!p0 $0x0;
	(pc) =	sbr.rel .LBB1_1-.Ltmp0, $4  }
0xa: {  	s11 =	simm.s32 $0x0;
	s3 =	rddreg [dreg:$0x1];
	s5 =	sadd.s32 s4, s5  }
0xb: {  	_ =	strace $0x8000004D;
	s4 =	simm.s32 $0x1;
	s5 =	smul.u32 $0xC8, s5  }
0xc: {  	s6 =	sadd.s32 $0xE00, s6;
	s10 =	smov.u32 s2;
	[sflag:s4] =	ssyncpa.u1 $0x0  }
0xd: {  	p0 =	por $0x0, $0x0;
	[sflag:s7] =	ssyncpa.u1 $0x0;
	s7 =	sor.u32 $0x1, s5  }
.LBB1_4:
0xe: {  	s16 =	sshll.u32 s13, $0x3;
	s17 =	sand.u32 $0x78, s13  }
0xf: {  	s30 =	sand.u32 $0x7E00, s13;
	s12 =	sshll.u32 s12, $0xF;
	s16 =	sand.u32 $0xC00, s16  }
0x10: {  	[tilespmem:s15+$0x810 ss:$0x81] =	vst.msk $0xffff, v2;
	s31 =	sand.u32 $0x7, s13;
	s16 =	sor.u32 s17, s16;
	s17 =	sadd.s32 s3, s30  }
0x11: {  	[tilespmem:s15+$0x1020 ss:$0x81] =	vst.msk $0xffff, v0;
	s13 =	sshll.u32 s31, $0x12;
	s12 =	sadd.s32 s12, s17;
	s16 =	sshrl.u32 s16, $0x3  }
0x12: {  	[tilespmem:s15+$0x0 ss:$0x81] =	vst.msk $0xffff, v1;
	s13 =	sor.u32 $0x400, s13;
	s12 =	sadd.s32 s16, s12  }
0x13: {  	[hbm4b:s12+s13] =	stream.strided.scatter [tilespmem:s14], [sflag:$0x2], $0x2000, s8, s13, $0x20;
	[tilespmem:$0x8080] =	vst v63  }
.LBB1_5:
0x14: {  	s14 =	sadd.s32 $0x1, s9  }
0x15: {  	s12 =	sadd.s32 $0x1000, s10;
	s16 =	smov.u32 s10;
	p2 =	sgt.s32 s14, $0xC7  }
0x16: {  	s16 =	smov.u32 @p2 s12  }
0x17: {  	s14 =	simm.s32 @p2 $0x0;
	p2 =	sgt.s32 s16, $0xFFF  }
0x18: {  	s16 =	smov.u32 @p2 s2;
	p2 =	sne.s32 s11, s7  }
.Ltmp1:
0x19: {  	p1 =	slt.u32 s11, $0x2;
	(pc) =	sbr.rel @!p2 .LBB1_6-.Ltmp1, $4  }
0x1a: {  	s15 =	simm.s32 @!p1 $0x2  }
0x1b: {  	s13 =	smov.u32 s10;
	p0 =	por !p0, !p0;
	_ =	swait.ge @!p1 [sflag:s15], $0x2000  }
0x1c: {  	s12 =	smov.u32 s9;
	[sflag:s15] =	ssyncset.done @!p1 $0x0;
	s9 =	smov.u32 s14  }
0x1d: {  	s11 =	sadd.s32 $0x1, s11;
	[sflag:s15] =	ssyncadd.s32 @!p1 $0xFFFFE000;
	s10 =	smov.u32 s16  }
.LBB1_1:
0x1e: {  	p1 =	sge.u32 s11, s5  }
0x1f: {  	s14 =	sand.u32 @!p1 $0x1FFFFFF, s9  }
0x20: {  	s15 =	smulhi.u32 @!p1 $0x147AE15, s14;
	_ =	sdelay $0x1  }
0x21: {  	s15 =	smul.u32 @!p1 $0xC8, s15  }
0x22: {  	s16 =	sxor.u32 @!p1 $0xFFFFFFFF, s11;
	s17 =	smul.u32 @!p1 $0xC80, s10  }
0x23: {  	s31 =	sadd.s32 $0xFFFFFFFF, s11;
	s16 =	sshll.u32 @!p1 s16, $0xD;
	s14 =	ssub.s32 @!p1 s14, s15  }
0x24: {  	s15 =	sand.u32 @!p1 $0x2000, s16;
	s16 =	sadd.s32 @!p1 s6, s17;
	s14 =	sshll.u32 @!p1 s14, $0x4  }
0x25: {  	s17 =	simm.s32 @!p1 $0x6400;
	s14 =	sadd.s32 @!p1 s14, s16;
	s16 =	simm.s32 @!p1 $0x40  }
0x26: {  	[tilespmem:s15], [sflag:$0x1] =	stream.strided.gather @!p1 [hbm4b:s14+s16], $0x2000, s17, s16, $0x38;
	[tilespmem:$0x8080] =	vst v63  }
0x27: {  	p1 =	sge.u32 s31, s5  }
.Ltmp2:
0x28: {  	_ = 	snop;
	(pc) =	sbr.rel @p1 .LBB1_5-.Ltmp2, $1  }
0x29: {  	_ =	sdelay $0x3  }
0x2a: {  	s14 =	simm.s32 $0x1  }
0x2b: {  	_ =	swait.ge [sflag:s4], $0x2000;
	s14 =	simm.s32 @!p0 $0x0  }
0x2c: {  	[sflag:s4] =	ssyncset.done $0x0;
	s15 =	sshll.u32 s14, $0xD  }
0x2d: {  	[sflag:s4] =	ssyncadd.s32 $0xFFFFE000;
	s18 =	sor.u32 $0x20, s15  }
0x2e: {  	s14 =	smul.u32 $0x8100, s14;
	v3 =	vld [tilespmem:s18+$0x10]  }
0x2f: {  	s30 =	sand.u32 $0x1, s11;
	v2 =	vld [tilespmem:s18+$0xFFFFFFF0]  }
0x30: {  	s15 =	smul.u32 $0x8100, s30;
	s14 =	sshrl.u32 s14, $0x2;
	v0 =	vld [tilespmem:s18+$0x0]  }
0x31: {  	v1 =	vld [tilespmem:s18+$0xFFFFFFE0];
	s16 =	sor.u32 $0x4000, s14  }
0x32: {  	s31 =	sshrl.u32 s15, $0x2;
	s15 =	sadd.s32 $0x0, s16  }
0x33: {  	s17 =	simm.s32 $0x4;
	s18 =	sadd.s32 $0x40, s18;
	s14 =	sor.u32 $0x4000, s31;
	[tilespmem:s15+$0x1830 ss:$0x81] =	vst.msk $0xffff, v3  }
.LBB1_3:
0x34: {  	v3 =	vld [tilespmem:s18+$0x10];
	p1 =	sne.s32 s17, $0x1FC;
	[tilespmem:s15+$0x810 ss:$0x81] =	vst.msk $0xffff, v2;
	s19 =	smov.u32 s17;
	s17 =	sadd.s32 $0x4, s17  }
.Ltmp3:
0x35: {  	v2 =	vld [tilespmem:s18+$0xFFFFFFF0];
	[tilespmem:s15+$0x1020 ss:$0x81] =	vst.msk $0xffff, v0;
	(pc) =	sbr.rel @p1 .LBB1_3-.Ltmp3, $4  }
0x36: {  	v0 =	vld [tilespmem:s18+$0x0];
	[tilespmem:s15+$0x0 ss:$0x81] =	vst.msk $0xffff, v1  }
0x37: {  	s15 =	sshra.s32 s19, $0x2;
	v1 =	vld [tilespmem:s18+$0xFFFFFFE0]  }
0x38: {  	s15 =	sadd.s32 s15, s16  }
0x39: {  	s18 =	sadd.s32 $0x40, s18;
	[tilespmem:s15+$0x1830 ss:$0x81] =	vst.msk $0xffff, v3  }
.Ltmp4:
0x3a: {  	_ = 	snop;
	(pc) =	sbr.rel .LBB1_4-.Ltmp4, $1  }
0x3b: {  	_ =	sdelay $0x3  }
.LBB1_6:
0x3c: {  	_ =	sfence.sel $0x180000  }
0x3d: {  	s2 =	simm.s32 $0x1;
	[bflag:$0x0] =	sbarrier.arrive $0xFFFF  }
0x3e: {  	s31 =	simm.s32 $0x2;
	[sflag:s2] =	ssyncpa.u1 $0x1  }
0x3f: {  	[sflag:s31] =	ssyncpa.u1 $0x1  }
0x40: {  	p0 =	sne.s32 s0, $0x0;
	_ =	strace $0x9000004D  }
0x41: {  	s0 =	sadd.s32 @!p0 $0x100000, s1;
	[bflag:$0x2] =	sbarrier.arrive $0xFFFF  }
0x42: {  	[sflag:s0] =	ssyncadd.tile.s32 @!p0 $0x1;
	_ =	shalt  }
.Lfunc_end1:
_tile_overlayer_lowered:
.L_overlay_start_2:
0x43: {  	(tag) =	ssettag $0x2  }
0x44: {  	s0 =	rddreg [dreg:$0x0];
	s2 =	stileid.u32  }
0x45: {  	s1 =	rddreg [dreg:$0x1];
	p0 =	sne.s32 s2, $0x0  }
0x46: {  	s3 =	rddreg [dreg:$0x2];
	[bflag:$0x3] =	sbarrier.arrive $0xFFFF;
	s2 =	simm.s32 @!p0 $0x1C01  }
0x47: {  	[timem:s3], [sflag:s2] =	dma.local @!p0 [hbm:s0], s1  }
0x48: {  	s0 =	simm.s32 @!p0 $0x1  }
0x49: {  	_ =	swait.ge @!p0 [sflag:s0], s1  }
0x4a: {  	s1 =	ssub.s32 @!p0 $0x0, s1;
	[sflag:s0] =	ssyncset.done @!p0 $0x0  }
0x4b: {  	[sflag:s0] =	ssyncadd.s32 @!p0 s1  }
0x4c: {  	[bflag:$0x3] =	sbarrier.arrive $0xFFFF  }
0x4d: {  	_ =	shalt  }

</sc_bundles>
